<compile_context>
chip_gen: v7x
topology: tpu7x:2x2x1
jax: 0.10.2.dev20260603
libtpu: 0.0.44.dev20260713+nightly
codegen_flags: <defaults>
</compile_context>

<pallas_src>
import functools

import jax
import jax.numpy as jnp
from jax import lax
from jax.experimental import pallas as pl
from jax.experimental.pallas import tpu as pltpu
from jax.experimental.pallas import tpu_sc as plsc

EMBED_DIM = 32
GRP = 128
NG = 32
NC = 2
NS = 16
NW = NC * NS


@jax.jit
def _sc_detile(tabT):
    D, V = tabT.shape
    NVT = (V + 127) // 128
    mesh = plsc.VectorSubcoreMesh(core_axis_name="c", subcore_axis_name="s")

    @functools.partial(
        pl.kernel,
        out_type=jax.ShapeDtypeStruct((NVT * 128 * D,), jnp.float32),
        mesh=mesh,
        scratch_types=[
            pltpu.VMEM((D, 128), jnp.float32),
            pltpu.VMEM((D, 128), jnp.float32),
            pltpu.VMEM((128 * D,), jnp.float32),
            pltpu.VMEM((128 * D,), jnp.float32),
            pltpu.SemaphoreType.DMA,
            pltpu.SemaphoreType.DMA,
            pltpu.SemaphoreType.DMA,
            pltpu.SemaphoreType.DMA,
        ],
        compiler_params=pltpu.CompilerParams(
            use_tc_tiling_on_sc=True, needs_layout_passes=False),
    )
    def k(tab_hbm, out_hbm, nv0, nv1, tv0, tv1, gi0, gi1, oo0, oo1):
        n_v = (nv0, nv1)
        t_v = (tv0, tv1)
        gsems = (gi0, gi1)
        osems = (oo0, oo1)
        wid = lax.axis_index("s") * NC + lax.axis_index("c")
        iota = lax.iota(jnp.int32, 16)
        vj = [iota + 16 * j for j in range(8)]
        n_pairs = (NVT + 2 * NW - 1) // (2 * NW)

        def vt_of(i):
            return wid + NW * i

        def fire_in(vt, buf):
            pltpu.async_copy(
                tab_hbm.at[:, pl.ds(vt * 128, 128)], n_v[buf], gsems[buf])

        def wait_in(vt, buf):
            pltpu.make_async_copy(
                tab_hbm.at[:, pl.ds(vt * 128, 128)], n_v[buf],
                gsems[buf]).wait()

        def transpose(buf):
            src = n_v[buf]
            dst = t_v[buf]

            @plsc.parallel_loop(0, D, carry=iota, unroll=2)
            def _(d0, mv):
                for j in range(8):
                    v = plsc.load_gather(src, [mv, vj[j]])
                    plsc.store_scatter(dst, [vj[j] * D + mv], v)
                return (mv + 1) & (D - 1)

        def fire_out(vt, buf):
            pltpu.async_copy(
                t_v[buf], out_hbm.at[pl.ds(vt * (128 * D), 128 * D)],
                osems[buf])

        def wait_out(vt, buf):
            pltpu.make_async_copy(
                t_v[buf], out_hbm.at[pl.ds(vt * (128 * D), 128 * D)],
                osems[buf]).wait()

        @pl.when(vt_of(0) < NVT)
        def _():
            fire_in(vt_of(0), 0)

        @pl.loop(0, n_pairs)
        def pair(p):
            iA = 2 * p
            vA = vt_of(iA)
            vB = vt_of(iA + 1)
            vC = vt_of(iA + 2)

            @pl.when(vB < NVT)
            def _():
                fire_in(vB, 1)

            @pl.when(vA < NVT)
            def _():
                wait_in(vA, 0)

                @pl.when(p > 0)
                def _():
                    wait_out(vA, 0)
                transpose(0)
                fire_out(vA, 0)

            @pl.when(vC < NVT)
            def _():
                fire_in(vC, 0)

            @pl.when(vB < NVT)
            def _():
                wait_in(vB, 1)

                @pl.when(p > 0)
                def _():
                    wait_out(vB, 1)
                transpose(1)
                fire_out(vB, 1)

        wait_out(0, 0)
        wait_out(0, 1)

    return k(tabT)


@jax.jit
def _sc_gather(idx2, tab2):
    S, NBT, _ = idx2.shape
    n_units = S * (NBT // NG)
    upw = n_units // NW
    nr = NBT // NG
    mesh = plsc.VectorSubcoreMesh(core_axis_name="c", subcore_axis_name="s")

    @functools.partial(
        pl.kernel,
        out_type=jax.ShapeDtypeStruct((S, 4, NBT, 8, GRP), jnp.float32),
        mesh=mesh,
        scratch_types=[
            pltpu.VMEM((NG, GRP), jnp.int32),
            pltpu.VMEM((4, GRP, EMBED_DIM), jnp.float32),
            pltpu.VMEM((4, EMBED_DIM, GRP), jnp.float32),
            pltpu.SemaphoreType.DMA,
            pltpu.SemaphoreType.DMA,
            pltpu.SemaphoreType.DMA,
            pltpu.SemaphoreType.DMA,
            pltpu.SemaphoreType.DMA,
            pltpu.SemaphoreType.DMA,
            pltpu.SemaphoreType.DMA,
            pltpu.SemaphoreType.DMA,
        ],
        compiler_params=pltpu.CompilerParams(
            use_tc_tiling_on_sc=False, needs_layout_passes=False),
    )
    def k(idx_hbm, tab_hbm, out_hbm, idxu, rows_v, t_v,
          g0, g1, g2, g3, o0, o1, o2, o3):
        table = tab_hbm
        gsems = (g0, g1, g2, g3)
        osems = (o0, o1, o2, o3)
        wid = lax.axis_index("s") * NC + lax.axis_index("c")
        iota = lax.iota(jnp.int32, 16)
        rj = [iota + 16 * j for j in range(8)]

        def fire_gather(g, buf):
            pltpu.async_copy(table.at[idxu.at[g]], rows_v.at[buf], gsems[buf])

        def wait_gather(g, buf):
            pltpu.make_async_copy(
                table.at[idxu.at[g]], rows_v.at[buf], gsems[buf]).wait()

        def transpose(buf):
            src = rows_v.at[buf]
            dst = t_v.at[buf]

            @plsc.parallel_loop(0, EMBED_DIM, carry=iota, unroll=4)
            def _(d0, mv):
                for j in range(8):
                    v = plsc.load_gather(src, [rj[j], mv])
                    plsc.store_scatter(dst, [mv, rj[j]], v)
                return (mv + 1) & 31

        def fire_writes(s, bt, buf):
            for dt in range(4):
                pltpu.async_copy(
                    t_v.at[buf, pl.ds(dt * 8, 8)], out_hbm.at[s, dt, bt],
                    osems[buf])

        def wait_writes(s, bt, buf):
            for dt in range(4):
                pltpu.make_async_copy(
                    t_v.at[buf, pl.ds(dt * 8, 8)], out_hbm.at[s, dt, bt],
                    osems[buf]).wait()

        @pl.loop(0, upw)
        def unit_loop(i):
            u = wid * upw + i
            s = u // nr
            bt0 = (u - s * nr) * NG
            pltpu.sync_copy(idx_hbm.at[s, pl.ds(bt0, NG)], idxu)
            for k in range(3):
                fire_gather(k, k)

            @pl.loop(0, NG // 4)
            def quad(q):
                for k in range(4):
                    g = 4 * q + k

                    @pl.when(g < NG - 3)
                    def _():
                        fire_gather(g + 3, (k + 3) % 4)
                    wait_gather(g, k)

                    @pl.when((i > 0) | (q > 0))
                    def _():
                        wait_writes(s, bt0, k)
                    transpose(k)
                    fire_writes(s, bt0 + g, k)

        for k in range(4):
            wait_writes(0, 0, k)

    return k(idx2, tab2)


def kernel(indices, table):
    Bt, S = indices.shape
    idx2 = indices.T.reshape(S, Bt // GRP, GRP).astype(jnp.int32)
    tab_lin = _sc_detile(table.T)
    tab2 = tab_lin.reshape(tab_lin.shape[0] // EMBED_DIM, EMBED_DIM)
    out5 = _sc_gather(idx2, tab2)
    return out5.transpose(2, 4, 0, 1, 3).reshape(Bt, S, EMBED_DIM)

# --- scband reference (transcript-rebuilt; emitter-appended) ---
"""Pipeline reference for scband-embedding-model-35811437314699 (READ-ONLY COPY).

The authoritative reference and input builder live on the scoring server;
editing this copy changes nothing except your own understanding.
"""

import jax, jax.numpy as jnp
import numpy as np

VOCAB_SIZE = 1000000
EMBED_DIM = 32
PAD_IDX = 0


def setup_inputs(seed: int = 0) -> dict:
    key = jax.random.key(seed)
    k_idx, k_tab = jax.random.split(key)
    indices = jax.random.randint(k_idx, (16384, 200), 0, VOCAB_SIZE, dtype=jnp.int64 if jax.config.jax_enable_x64 else jnp.int32)
    table = jax.random.normal(k_tab, (VOCAB_SIZE, EMBED_DIM), dtype=jnp.float32)
    # nn.Embedding with padding_idx initializes that row to zeros
    table = table.at[PAD_IDX].set(0.0)
    return {"indices": indices, "table": table}


def reference(indices, table):
    # forward: emb = self.embedding(x); out = self.dropout(emb)
    # dropout is identity in eval mode
    emb = jnp.take(table, indices, axis=0)
    # padding_idx semantics: lookups of pad_idx yield the zero vector
    pad_mask = (indices == PAD_IDX)[..., None]
    emb = jnp.where(pad_mask, 0.0, emb)
    return emb

if __name__ == "__main__":
    import jax
    _d = setup_inputs()
    print(jax.jit(kernel)(*tuple(_d.values())))

</pallas_src>

<mosaic_0001>
#map = affine_map<(d0, d1) -> (0, 0)>
#map1 = affine_map<(d0, d1) -> (0)>
module attributes {stable_mosaic.version = 14 : i64} {
  func.func @k(%arg0: i32, %arg1: i32, %arg2: memref<32x1000000xf32, #tpu.memory_space<hbm>>, %arg3: memref<32002048xf32, #tpu.memory_space<hbm>>, %arg4: memref<32x128xf32, #tpu.memory_space<vmem>>, %arg5: memref<32x128xf32, #tpu.memory_space<vmem>>, %arg6: memref<4096xf32, #tpu.memory_space<vmem>>, %arg7: memref<4096xf32, #tpu.memory_space<vmem>>, %arg8: memref<!tpu.dma_semaphore, #tpu.memory_space<semaphore_mem>>, %arg9: memref<!tpu.dma_semaphore, #tpu.memory_space<semaphore_mem>>, %arg10: memref<!tpu.dma_semaphore, #tpu.memory_space<semaphore_mem>>, %arg11: memref<!tpu.dma_semaphore, #tpu.memory_space<semaphore_mem>>) attributes {dimension_semantics = [#tpu.dimension_semantics<core_parallel>, #tpu.dimension_semantics<subcore_parallel>], iteration_bounds = array<i64: 2, 16>, scalar_prefetch = 0 : i64, scratch_operands = 8 : i64, tpu.core_type = #tpu.core_type<sc_vector_subcore>, window_params = [{transform_indices = #map}, {transform_indices = #map1}]} {
    %mul3A = arith.constant 2 : i32
    %mul3A_0 = arith.muli %arg1, %mul3A : i32
    %add3A = arith.addi %mul3A_0, %arg0 : i32
    %iota3A = tpu.iota {dimensions = array<i32: 0>} : vector<16xi32>
    %add3A_1 = arith.constant 0 : i32
    %add3A_2 = vector.broadcast %add3A_1 : i32 to vector<16xi32>
    %add3A_3 = arith.addi %iota3A, %add3A_2 : vector<16xi32>
    %add3A_4 = arith.constant 16 : i32
    %add3A_5 = vector.broadcast %add3A_4 : i32 to vector<16xi32>
    %add3A_6 = arith.addi %iota3A, %add3A_5 : vector<16xi32>
    %add3A_7 = arith.constant 32 : i32
    %add3A_8 = vector.broadcast %add3A_7 : i32 to vector<16xi32>
    %add3A_9 = arith.addi %iota3A, %add3A_8 : vector<16xi32>
    %add3A_10 = arith.constant 48 : i32
    %add3A_11 = vector.broadcast %add3A_10 : i32 to vector<16xi32>
    %add3A_12 = arith.addi %iota3A, %add3A_11 : vector<16xi32>
    %add3A_13 = arith.constant 64 : i32
    %add3A_14 = vector.broadcast %add3A_13 : i32 to vector<16xi32>
    %add3A_15 = arith.addi %iota3A, %add3A_14 : vector<16xi32>
    %add3A_16 = arith.constant 80 : i32
    %add3A_17 = vector.broadcast %add3A_16 : i32 to vector<16xi32>
    %add3A_18 = arith.addi %iota3A, %add3A_17 : vector<16xi32>
    %add3A_19 = arith.constant 96 : i32
    %add3A_20 = vector.broadcast %add3A_19 : i32 to vector<16xi32>
    %add3A_21 = arith.addi %iota3A, %add3A_20 : vector<16xi32>
    %add3A_22 = arith.constant 112 : i32
    %add3A_23 = vector.broadcast %add3A_22 : i32 to vector<16xi32>
    %add3A_24 = arith.addi %iota3A, %add3A_23 : vector<16xi32>
    %add3A_25 = arith.constant 0 : i32
    %add3A_26 = arith.addi %add3A, %add3A_25 : i32
    %lt3A = arith.constant 7813 : i32
    %lt3A_27 = arith.cmpi slt, %add3A_26, %lt3A : i32
    %convert_element_type3A = arith.extui %lt3A_27 : i1 to i32
    %cond3A = arith.constant 0 : i32
    %cond3A_28 = arith.cmpi ne, %convert_element_type3A, %cond3A : i32
    scf.if %cond3A_28 {
      %add3A_40 = arith.constant 0 : i32
      %add3A_41 = arith.addi %add3A, %add3A_40 : i32
      %mul3A_42 = arith.constant 128 : i32
      %mul3A_43 = arith.muli %add3A_41, %mul3A_42 : i32
      %dma_start3A = arith.constant 0 : i32
      %dma_start3A_44 = tpu.memref_slice %arg2[%dma_start3A, %mul3A_43] : memref<32x1000000xf32, #tpu.memory_space<hbm>> -> memref<32x128xf32, #tpu.memory_space<hbm>>
      %dma_start3A_45 = arith.constant 0 : i32
      %dma_start3A_46 = tpu.memref_slice %arg2[%dma_start3A_45, %mul3A_43] : memref<32x1000000xf32, #tpu.memory_space<hbm>> -> memref<32x128xf32, #tpu.memory_space<hbm>>
      tpu.enqueue_dma source(%dma_start3A_46 : memref<32x128xf32, #tpu.memory_space<hbm>>) target(%arg4 : memref<32x128xf32, #tpu.memory_space<vmem>>) target_semaphore(%arg8 : memref<!tpu.dma_semaphore, #tpu.memory_space<semaphore_mem>>)
    } else {
    }
    %scan3A = arith.constant 0 : i32
    %scan3A_29 = arith.constant 123 : i32
    %scan3A_30 = arith.addi %scan3A, %scan3A_29 : i32
    %scan3A_31 = arith.constant 1 : i32
    scf.for %scan3A_40 = %scan3A to %scan3A_30 step %scan3A_31  : i32 {
      %mul3A_41 = arith.constant 1 : i32
      %mul3A_42 = arith.muli %scan3A_40, %mul3A_41 : i32
      %add3A_43 = arith.constant 0 : i32
      %add3A_44 = arith.addi %add3A_43, %mul3A_42 : i32
      %mul3A_45 = arith.constant 2 : i32
      %mul3A_46 = arith.muli %mul3A_45, %add3A_44 : i32
      %mul3A_47 = arith.constant 32 : i32
      %mul3A_48 = arith.muli %mul3A_47, %mul3A_46 : i32
      %add3A_49 = arith.addi %add3A, %mul3A_48 : i32
      %add3A_50 = arith.constant 1 : i32
      %add3A_51 = arith.addi %mul3A_46, %add3A_50 : i32
      %mul3A_52 = arith.constant 32 : i32
      %mul3A_53 = arith.muli %mul3A_52, %add3A_51 : i32
      %add3A_54 = arith.addi %add3A, %mul3A_53 : i32
      %add3A_55 = arith.constant 2 : i32
      %add3A_56 = arith.addi %mul3A_46, %add3A_55 : i32
      %mul3A_57 = arith.constant 32 : i32
      %mul3A_58 = arith.muli %mul3A_57, %add3A_56 : i32
      %add3A_59 = arith.addi %add3A, %mul3A_58 : i32
      %lt3A_60 = arith.constant 7813 : i32
      %lt3A_61 = arith.cmpi slt, %add3A_54, %lt3A_60 : i32
      %convert_element_type3A_62 = arith.extui %lt3A_61 : i1 to i32
      %cond3A_63 = arith.constant 0 : i32
      %cond3A_64 = arith.cmpi ne, %convert_element_type3A_62, %cond3A_63 : i32
      scf.if %cond3A_64 {
        %mul3A_80 = arith.constant 128 : i32
        %mul3A_81 = arith.muli %add3A_54, %mul3A_80 : i32
        %dma_start3A = arith.constant 0 : i32
        %dma_start3A_82 = tpu.memref_slice %arg2[%dma_start3A, %mul3A_81] : memref<32x1000000xf32, #tpu.memory_space<hbm>> -> memref<32x128xf32, #tpu.memory_space<hbm>>
        %dma_start3A_83 = arith.constant 0 : i32
        %dma_start3A_84 = tpu.memref_slice %arg2[%dma_start3A_83, %mul3A_81] : memref<32x1000000xf32, #tpu.memory_space<hbm>> -> memref<32x128xf32, #tpu.memory_space<hbm>>
        tpu.enqueue_dma source(%dma_start3A_84 : memref<32x128xf32, #tpu.memory_space<hbm>>) target(%arg5 : memref<32x128xf32, #tpu.memory_space<vmem>>) target_semaphore(%arg9 : memref<!tpu.dma_semaphore, #tpu.memory_space<semaphore_mem>>)
      } else {
      }
      %lt3A_65 = arith.constant 7813 : i32
      %lt3A_66 = arith.cmpi slt, %add3A_49, %lt3A_65 : i32
      %convert_element_type3A_67 = arith.extui %lt3A_66 : i1 to i32
      %cond3A_68 = arith.constant 0 : i32
      %cond3A_69 = arith.cmpi ne, %convert_element_type3A_67, %cond3A_68 : i32
      scf.if %cond3A_69 {
        %mul3A_80 = arith.constant 128 : i32
        %mul3A_81 = arith.muli %add3A_49, %mul3A_80 : i32
        %dma_wait3A_82 = arith.constant 0 : i32
        %dma_wait3A_83 = tpu.memref_slice %arg2[%dma_wait3A_82, %mul3A_81] : memref<32x1000000xf32, #tpu.memory_space<hbm>> -> memref<32x128xf32, #tpu.memory_space<hbm>>
        %dma_wait3A_84 = arith.constant 0 : i32
        %dma_wait3A_85 = tpu.memref_slice %arg2[%dma_wait3A_84, %mul3A_81] : memref<32x1000000xf32, #tpu.memory_space<hbm>> -> memref<32x128xf32, #tpu.memory_space<hbm>>
        tpu.wait_dma2 semaphore(%arg8 : memref<!tpu.dma_semaphore, #tpu.memory_space<semaphore_mem>>) src(%dma_wait3A_85 : memref<32x128xf32, #tpu.memory_space<hbm>>) dst(%arg4 : memref<32x128xf32, #tpu.memory_space<vmem>>)
        %gt3A = arith.constant 0 : i32
        %gt3A_86 = arith.cmpi sgt, %add3A_44, %gt3A : i32
        %convert_element_type3A_87 = arith.extui %gt3A_86 : i1 to i32
        %cond3A_88 = arith.constant 0 : i32
        %cond3A_89 = arith.cmpi ne, %convert_element_type3A_87, %cond3A_88 : i32
        scf.if %cond3A_89 {
          %mul3A_96 = arith.constant 4096 : i32
          %mul3A_97 = arith.muli %add3A_49, %mul3A_96 : i32
          %dma_wait3A_98 = tpu.memref_slice %arg3[%mul3A_97] : memref<32002048xf32, #tpu.memory_space<hbm>> -> memref<4096xf32, #tpu.memory_space<hbm>>
          %dma_wait3A_99 = tpu.memref_slice %arg3[%mul3A_97] : memref<32002048xf32, #tpu.memory_space<hbm>> -> memref<4096xf32, #tpu.memory_space<hbm>>
          tpu.wait_dma2 semaphore(%arg10 : memref<!tpu.dma_semaphore, #tpu.memory_space<semaphore_mem>>) src(%arg6 : memref<4096xf32, #tpu.memory_space<vmem>>) dst(%dma_wait3A_99 : memref<4096xf32, #tpu.memory_space<hbm>>)
        } else {
        }
        %parallel_loop3A = arith.constant 0 : i32
        %parallel_loop3A_90 = arith.constant 32 : i32
        %parallel_loop3A_91 = arith.constant 1 : i32
        %parallel_loop3A_92 = scf.for %parallel_loop3A_96 = %parallel_loop3A to %parallel_loop3A_90 step %parallel_loop3A_91 iter_args(%parallel_loop3A_97 = %iota3A) -> (vector<16xi32>)  : i32 {
          %parallel_loop3A_98 = tpu.vector_load_idx %arg4[%parallel_loop3A_97, %add3A_3] : memref<32x128xf32, #tpu.memory_space<vmem>>[vector<16xi32>, vector<16xi32>], vector<16xf32>,
          %parallel_loop3A_99 = arith.constant 32 : i32
          %parallel_loop3A_100 = vector.broadcast %parallel_loop3A_99 : i32 to vector<16xi32>
          %parallel_loop3A_101 = arith.muli %add3A_3, %parallel_loop3A_100 : vector<16xi32>
          %parallel_loop3A_102 = arith.addi %parallel_loop3A_101, %parallel_loop3A_97 : vector<16xi32>
          tpu.vector_store_idx %arg6[%parallel_loop3A_102], %parallel_loop3A_98 : memref<4096xf32, #tpu.memory_space<vmem>>[vector<16xi32>], vector<16xf32>,
          %parallel_loop3A_103 = tpu.vector_load_idx %arg4[%parallel_loop3A_97, %add3A_6] : memref<32x128xf32, #tpu.memory_space<vmem>>[vector<16xi32>, vector<16xi32>], vector<16xf32>,
          %parallel_loop3A_104 = arith.constant 32 : i32
          %parallel_loop3A_105 = vector.broadcast %parallel_loop3A_104 : i32 to vector<16xi32>
          %parallel_loop3A_106 = arith.muli %add3A_6, %parallel_loop3A_105 : vector<16xi32>
          %parallel_loop3A_107 = arith.addi %parallel_loop3A_106, %parallel_loop3A_97 : vector<16xi32>
          tpu.vector_store_idx %arg6[%parallel_loop3A_107], %parallel_loop3A_103 : memref<4096xf32, #tpu.memory_space<vmem>>[vector<16xi32>], vector<16xf32>,
          %parallel_loop3A_108 = tpu.vector_load_idx %arg4[%parallel_loop3A_97, %add3A_9] : memref<32x128xf32, #tpu.memory_space<vmem>>[vector<16xi32>, vector<16xi32>], vector<16xf32>,
          %parallel_loop3A_109 = arith.constant 32 : i32
          %parallel_loop3A_110 = vector.broadcast %parallel_loop3A_109 : i32 to vector<16xi32>
          %parallel_loop3A_111 = arith.muli %add3A_9, %parallel_loop3A_110 : vector<16xi32>
          %parallel_loop3A_112 = arith.addi %parallel_loop3A_111, %parallel_loop3A_97 : vector<16xi32>
          tpu.vector_store_idx %arg6[%parallel_loop3A_112], %parallel_loop3A_108 : memref<4096xf32, #tpu.memory_space<vmem>>[vector<16xi32>], vector<16xf32>,
          %parallel_loop3A_113 = tpu.vector_load_idx %arg4[%parallel_loop3A_97, %add3A_12] : memref<32x128xf32, #tpu.memory_space<vmem>>[vector<16xi32>, vector<16xi32>], vector<16xf32>,
          %parallel_loop3A_114 = arith.constant 32 : i32
          %parallel_loop3A_115 = vector.broadcast %parallel_loop3A_114 : i32 to vector<16xi32>
          %parallel_loop3A_116 = arith.muli %add3A_12, %parallel_loop3A_115 : vector<16xi32>
          %parallel_loop3A_117 = arith.addi %parallel_loop3A_116, %parallel_loop3A_97 : vector<16xi32>
          tpu.vector_store_idx %arg6[%parallel_loop3A_117], %parallel_loop3A_113 : memref<4096xf32, #tpu.memory_space<vmem>>[vector<16xi32>], vector<16xf32>,
          %parallel_loop3A_118 = tpu.vector_load_idx %arg4[%parallel_loop3A_97, %add3A_15] : memref<32x128xf32, #tpu.memory_space<vmem>>[vector<16xi32>, vector<16xi32>], vector<16xf32>,
          %parallel_loop3A_119 = arith.constant 32 : i32
          %parallel_loop3A_120 = vector.broadcast %parallel_loop3A_119 : i32 to vector<16xi32>
          %parallel_loop3A_121 = arith.muli %add3A_15, %parallel_loop3A_120 : vector<16xi32>
          %parallel_loop3A_122 = arith.addi %parallel_loop3A_121, %parallel_loop3A_97 : vector<16xi32>
          tpu.vector_store_idx %arg6[%parallel_loop3A_122], %parallel_loop3A_118 : memref<4096xf32, #tpu.memory_space<vmem>>[vector<16xi32>], vector<16xf32>,
          %parallel_loop3A_123 = tpu.vector_load_idx %arg4[%parallel_loop3A_97, %add3A_18] : memref<32x128xf32, #tpu.memory_space<vmem>>[vector<16xi32>, vector<16xi32>], vector<16xf32>,
          %parallel_loop3A_124 = arith.constant 32 : i32
          %parallel_loop3A_125 = vector.broadcast %parallel_loop3A_124 : i32 to vector<16xi32>
          %parallel_loop3A_126 = arith.muli %add3A_18, %parallel_loop3A_125 : vector<16xi32>
          %parallel_loop3A_127 = arith.addi %parallel_loop3A_126, %parallel_loop3A_97 : vector<16xi32>
          tpu.vector_store_idx %arg6[%parallel_loop3A_127], %parallel_loop3A_123 : memref<4096xf32, #tpu.memory_space<vmem>>[vector<16xi32>], vector<16xf32>,
          %parallel_loop3A_128 = tpu.vector_load_idx %arg4[%parallel_loop3A_97, %add3A_21] : memref<32x128xf32, #tpu.memory_space<vmem>>[vector<16xi32>, vector<16xi32>], vector<16xf32>,
          %parallel_loop3A_129 = arith.constant 32 : i32
          %parallel_loop3A_130 = vector.broadcast %parallel_loop3A_129 : i32 to vector<16xi32>
          %parallel_loop3A_131 = arith.muli %add3A_21, %parallel_loop3A_130 : vector<16xi32>
          %parallel_loop3A_132 = arith.addi %parallel_loop3A_131, %parallel_loop3A_97 : vector<16xi32>
          tpu.vector_store_idx %arg6[%parallel_loop3A_132], %parallel_loop3A_128 : memref<4096xf32, #tpu.memory_space<vmem>>[vector<16xi32>], vector<16xf32>,
          %parallel_loop3A_133 = tpu.vector_load_idx %arg4[%parallel_loop3A_97, %add3A_24] : memref<32x128xf32, #tpu.memory_space<vmem>>[vector<16xi32>, vector<16xi32>], vector<16xf32>,
          %parallel_loop3A_134 = arith.constant 32 : i32
          %parallel_loop3A_135 = vector.broadcast %parallel_loop3A_134 : i32 to vector<16xi32>
          %parallel_loop3A_136 = arith.muli %add3A_24, %parallel_loop3A_135 : vector<16xi32>
          %parallel_loop3A_137 = arith.addi %parallel_loop3A_136, %parallel_loop3A_97 : vector<16xi32>
          tpu.vector_store_idx %arg6[%parallel_loop3A_137], %parallel_loop3A_133 : memref<4096xf32, #tpu.memory_space<vmem>>[vector<16xi32>], vector<16xf32>,
          %parallel_loop3A_138 = arith.constant 1 : i32
          %parallel_loop3A_139 = vector.broadcast %parallel_loop3A_138 : i32 to vector<16xi32>
          %parallel_loop3A_140 = arith.addi %parallel_loop3A_97, %parallel_loop3A_139 : vector<16xi32>
          %parallel_loop3A_141 = arith.constant 31 : i32
          %parallel_loop3A_142 = vector.broadcast %parallel_loop3A_141 : i32 to vector<16xi32>
          %parallel_loop3A_143 = arith.andi %parallel_loop3A_140, %parallel_loop3A_142 : vector<16xi32>
          scf.yield %parallel_loop3A_143 : vector<16xi32>
        } {sc.loop_unroll_factor = 2 : i64, sc.parallel_access}
        %mul3A_93 = arith.constant 4096 : i32
        %mul3A_94 = arith.muli %add3A_49, %mul3A_93 : i32
        %dma_start3A = tpu.memref_slice %arg3[%mul3A_94] : memref<32002048xf32, #tpu.memory_space<hbm>> -> memref<4096xf32, #tpu.memory_space<hbm>>
        %dma_start3A_95 = tpu.memref_slice %arg3[%mul3A_94] : memref<32002048xf32, #tpu.memory_space<hbm>> -> memref<4096xf32, #tpu.memory_space<hbm>>
        tpu.enqueue_dma source(%arg6 : memref<4096xf32, #tpu.memory_space<vmem>>) target(%dma_start3A_95 : memref<4096xf32, #tpu.memory_space<hbm>>) target_semaphore(%arg10 : memref<!tpu.dma_semaphore, #tpu.memory_space<semaphore_mem>>)
      } else {
      }
      %lt3A_70 = arith.constant 7813 : i32
      %lt3A_71 = arith.cmpi slt, %add3A_59, %lt3A_70 : i32
      %convert_element_type3A_72 = arith.extui %lt3A_71 : i1 to i32
      %cond3A_73 = arith.constant 0 : i32
      %cond3A_74 = arith.cmpi ne, %convert_element_type3A_72, %cond3A_73 : i32
      scf.if %cond3A_74 {
        %mul3A_80 = arith.constant 128 : i32
        %mul3A_81 = arith.muli %add3A_59, %mul3A_80 : i32
        %dma_start3A = arith.constant 0 : i32
        %dma_start3A_82 = tpu.memref_slice %arg2[%dma_start3A, %mul3A_81] : memref<32x1000000xf32, #tpu.memory_space<hbm>> -> memref<32x128xf32, #tpu.memory_space<hbm>>
        %dma_start3A_83 = arith.constant 0 : i32
        %dma_start3A_84 = tpu.memref_slice %arg2[%dma_start3A_83, %mul3A_81] : memref<32x1000000xf32, #tpu.memory_space<hbm>> -> memref<32x128xf32, #tpu.memory_space<hbm>>
        tpu.enqueue_dma source(%dma_start3A_84 : memref<32x128xf32, #tpu.memory_space<hbm>>) target(%arg4 : memref<32x128xf32, #tpu.memory_space<vmem>>) target_semaphore(%arg8 : memref<!tpu.dma_semaphore, #tpu.memory_space<semaphore_mem>>)
      } else {
      }
      %lt3A_75 = arith.constant 7813 : i32
      %lt3A_76 = arith.cmpi slt, %add3A_54, %lt3A_75 : i32
      %convert_element_type3A_77 = arith.extui %lt3A_76 : i1 to i32
      %cond3A_78 = arith.constant 0 : i32
      %cond3A_79 = arith.cmpi ne, %convert_element_type3A_77, %cond3A_78 : i32
      scf.if %cond3A_79 {
        %mul3A_80 = arith.constant 128 : i32
        %mul3A_81 = arith.muli %add3A_54, %mul3A_80 : i32
        %dma_wait3A_82 = arith.constant 0 : i32
        %dma_wait3A_83 = tpu.memref_slice %arg2[%dma_wait3A_82, %mul3A_81] : memref<32x1000000xf32, #tpu.memory_space<hbm>> -> memref<32x128xf32, #tpu.memory_space<hbm>>
        %dma_wait3A_84 = arith.constant 0 : i32
        %dma_wait3A_85 = tpu.memref_slice %arg2[%dma_wait3A_84, %mul3A_81] : memref<32x1000000xf32, #tpu.memory_space<hbm>> -> memref<32x128xf32, #tpu.memory_space<hbm>>
        tpu.wait_dma2 semaphore(%arg9 : memref<!tpu.dma_semaphore, #tpu.memory_space<semaphore_mem>>) src(%dma_wait3A_85 : memref<32x128xf32, #tpu.memory_space<hbm>>) dst(%arg5 : memref<32x128xf32, #tpu.memory_space<vmem>>)
        %gt3A = arith.constant 0 : i32
        %gt3A_86 = arith.cmpi sgt, %add3A_44, %gt3A : i32
        %convert_element_type3A_87 = arith.extui %gt3A_86 : i1 to i32
        %cond3A_88 = arith.constant 0 : i32
        %cond3A_89 = arith.cmpi ne, %convert_element_type3A_87, %cond3A_88 : i32
        scf.if %cond3A_89 {
          %mul3A_96 = arith.constant 4096 : i32
          %mul3A_97 = arith.muli %add3A_54, %mul3A_96 : i32
          %dma_wait3A_98 = tpu.memref_slice %arg3[%mul3A_97] : memref<32002048xf32, #tpu.memory_space<hbm>> -> memref<4096xf32, #tpu.memory_space<hbm>>
          %dma_wait3A_99 = tpu.memref_slice %arg3[%mul3A_97] : memref<32002048xf32, #tpu.memory_space<hbm>> -> memref<4096xf32, #tpu.memory_space<hbm>>
          tpu.wait_dma2 semaphore(%arg11 : memref<!tpu.dma_semaphore, #tpu.memory_space<semaphore_mem>>) src(%arg7 : memref<4096xf32, #tpu.memory_space<vmem>>) dst(%dma_wait3A_99 : memref<4096xf32, #tpu.memory_space<hbm>>)
        } else {
        }
        %parallel_loop3A = arith.constant 0 : i32
        %parallel_loop3A_90 = arith.constant 32 : i32
        %parallel_loop3A_91 = arith.constant 1 : i32
        %parallel_loop3A_92 = scf.for %parallel_loop3A_96 = %parallel_loop3A to %parallel_loop3A_90 step %parallel_loop3A_91 iter_args(%parallel_loop3A_97 = %iota3A) -> (vector<16xi32>)  : i32 {
          %parallel_loop3A_98 = tpu.vector_load_idx %arg5[%parallel_loop3A_97, %add3A_3] : memref<32x128xf32, #tpu.memory_space<vmem>>[vector<16xi32>, vector<16xi32>], vector<16xf32>,
          %parallel_loop3A_99 = arith.constant 32 : i32
          %parallel_loop3A_100 = vector.broadcast %parallel_loop3A_99 : i32 to vector<16xi32>
          %parallel_loop3A_101 = arith.muli %add3A_3, %parallel_loop3A_100 : vector<16xi32>
          %parallel_loop3A_102 = arith.addi %parallel_loop3A_101, %parallel_loop3A_97 : vector<16xi32>
          tpu.vector_store_idx %arg7[%parallel_loop3A_102], %parallel_loop3A_98 : memref<4096xf32, #tpu.memory_space<vmem>>[vector<16xi32>], vector<16xf32>,
          %parallel_loop3A_103 = tpu.vector_load_idx %arg5[%parallel_loop3A_97, %add3A_6] : memref<32x128xf32, #tpu.memory_space<vmem>>[vector<16xi32>, vector<16xi32>], vector<16xf32>,
          %parallel_loop3A_104 = arith.constant 32 : i32
          %parallel_loop3A_105 = vector.broadcast %parallel_loop3A_104 : i32 to vector<16xi32>
          %parallel_loop3A_106 = arith.muli %add3A_6, %parallel_loop3A_105 : vector<16xi32>
          %parallel_loop3A_107 = arith.addi %parallel_loop3A_106, %parallel_loop3A_97 : vector<16xi32>
          tpu.vector_store_idx %arg7[%parallel_loop3A_107], %parallel_loop3A_103 : memref<4096xf32, #tpu.memory_space<vmem>>[vector<16xi32>], vector<16xf32>,
          %parallel_loop3A_108 = tpu.vector_load_idx %arg5[%parallel_loop3A_97, %add3A_9] : memref<32x128xf32, #tpu.memory_space<vmem>>[vector<16xi32>, vector<16xi32>], vector<16xf32>,
          %parallel_loop3A_109 = arith.constant 32 : i32
          %parallel_loop3A_110 = vector.broadcast %parallel_loop3A_109 : i32 to vector<16xi32>
          %parallel_loop3A_111 = arith.muli %add3A_9, %parallel_loop3A_110 : vector<16xi32>
          %parallel_loop3A_112 = arith.addi %parallel_loop3A_111, %parallel_loop3A_97 : vector<16xi32>
          tpu.vector_store_idx %arg7[%parallel_loop3A_112], %parallel_loop3A_108 : memref<4096xf32, #tpu.memory_space<vmem>>[vector<16xi32>], vector<16xf32>,
          %parallel_loop3A_113 = tpu.vector_load_idx %arg5[%parallel_loop3A_97, %add3A_12] : memref<32x128xf32, #tpu.memory_space<vmem>>[vector<16xi32>, vector<16xi32>], vector<16xf32>,
          %parallel_loop3A_114 = arith.constant 32 : i32
          %parallel_loop3A_115 = vector.broadcast %parallel_loop3A_114 : i32 to vector<16xi32>
          %parallel_loop3A_116 = arith.muli %add3A_12, %parallel_loop3A_115 : vector<16xi32>
          %parallel_loop3A_117 = arith.addi %parallel_loop3A_116, %parallel_loop3A_97 : vector<16xi32>
          tpu.vector_store_idx %arg7[%parallel_loop3A_117], %parallel_loop3A_113 : memref<4096xf32, #tpu.memory_space<vmem>>[vector<16xi32>], vector<16xf32>,
          %parallel_loop3A_118 = tpu.vector_load_idx %arg5[%parallel_loop3A_97, %add3A_15] : memref<32x128xf32, #tpu.memory_space<vmem>>[vector<16xi32>, vector<16xi32>], vector<16xf32>,
          %parallel_loop3A_119 = arith.constant 32 : i32
          %parallel_loop3A_120 = vector.broadcast %parallel_loop3A_119 : i32 to vector<16xi32>
          %parallel_loop3A_121 = arith.muli %add3A_15, %parallel_loop3A_120 : vector<16xi32>
          %parallel_loop3A_122 = arith.addi %parallel_loop3A_121, %parallel_loop3A_97 : vector<16xi32>
          tpu.vector_store_idx %arg7[%parallel_loop3A_122], %parallel_loop3A_118 : memref<4096xf32, #tpu.memory_space<vmem>>[vector<16xi32>], vector<16xf32>,
          %parallel_loop3A_123 = tpu.vector_load_idx %arg5[%parallel_loop3A_97, %add3A_18] : memref<32x128xf32, #tpu.memory_space<vmem>>[vector<16xi32>, vector<16xi32>], vector<16xf32>,
          %parallel_loop3A_124 = arith.constant 32 : i32
          %parallel_loop3A_125 = vector.broadcast %parallel_loop3A_124 : i32 to vector<16xi32>
          %parallel_loop3A_126 = arith.muli %add3A_18, %parallel_loop3A_125 : vector<16xi32>
          %parallel_loop3A_127 = arith.addi %parallel_loop3A_126, %parallel_loop3A_97 : vector<16xi32>
          tpu.vector_store_idx %arg7[%parallel_loop3A_127], %parallel_loop3A_123 : memref<4096xf32, #tpu.memory_space<vmem>>[vector<16xi32>], vector<16xf32>,
          %parallel_loop3A_128 = tpu.vector_load_idx %arg5[%parallel_loop3A_97, %add3A_21] : memref<32x128xf32, #tpu.memory_space<vmem>>[vector<16xi32>, vector<16xi32>], vector<16xf32>,
          %parallel_loop3A_129 = arith.constant 32 : i32
          %parallel_loop3A_130 = vector.broadcast %parallel_loop3A_129 : i32 to vector<16xi32>
          %parallel_loop3A_131 = arith.muli %add3A_21, %parallel_loop3A_130 : vector<16xi32>
          %parallel_loop3A_132 = arith.addi %parallel_loop3A_131, %parallel_loop3A_97 : vector<16xi32>
          tpu.vector_store_idx %arg7[%parallel_loop3A_132], %parallel_loop3A_128 : memref<4096xf32, #tpu.memory_space<vmem>>[vector<16xi32>], vector<16xf32>,
          %parallel_loop3A_133 = tpu.vector_load_idx %arg5[%parallel_loop3A_97, %add3A_24] : memref<32x128xf32, #tpu.memory_space<vmem>>[vector<16xi32>, vector<16xi32>], vector<16xf32>,
          %parallel_loop3A_134 = arith.constant 32 : i32
          %parallel_loop3A_135 = vector.broadcast %parallel_loop3A_134 : i32 to vector<16xi32>
          %parallel_loop3A_136 = arith.muli %add3A_24, %parallel_loop3A_135 : vector<16xi32>
          %parallel_loop3A_137 = arith.addi %parallel_loop3A_136, %parallel_loop3A_97 : vector<16xi32>
          tpu.vector_store_idx %arg7[%parallel_loop3A_137], %parallel_loop3A_133 : memref<4096xf32, #tpu.memory_space<vmem>>[vector<16xi32>], vector<16xf32>,
          %parallel_loop3A_138 = arith.constant 1 : i32
          %parallel_loop3A_139 = vector.broadcast %parallel_loop3A_138 : i32 to vector<16xi32>
          %parallel_loop3A_140 = arith.addi %parallel_loop3A_97, %parallel_loop3A_139 : vector<16xi32>
          %parallel_loop3A_141 = arith.constant 31 : i32
          %parallel_loop3A_142 = vector.broadcast %parallel_loop3A_141 : i32 to vector<16xi32>
          %parallel_loop3A_143 = arith.andi %parallel_loop3A_140, %parallel_loop3A_142 : vector<16xi32>
          scf.yield %parallel_loop3A_143 : vector<16xi32>
        } {sc.loop_unroll_factor = 2 : i64, sc.parallel_access}
        %mul3A_93 = arith.constant 4096 : i32
        %mul3A_94 = arith.muli %add3A_54, %mul3A_93 : i32
        %dma_start3A = tpu.memref_slice %arg3[%mul3A_94] : memref<32002048xf32, #tpu.memory_space<hbm>> -> memref<4096xf32, #tpu.memory_space<hbm>>
        %dma_start3A_95 = tpu.memref_slice %arg3[%mul3A_94] : memref<32002048xf32, #tpu.memory_space<hbm>> -> memref<4096xf32, #tpu.memory_space<hbm>>
        tpu.enqueue_dma source(%arg7 : memref<4096xf32, #tpu.memory_space<vmem>>) target(%dma_start3A_95 : memref<4096xf32, #tpu.memory_space<hbm>>) target_semaphore(%arg11 : memref<!tpu.dma_semaphore, #tpu.memory_space<semaphore_mem>>)
      } else {
      }
    }
    %scan3A_32 = arith.constant 123 : i32
    %dma_wait3A = arith.constant 0 : i32
    %dma_wait3A_33 = tpu.memref_slice %arg3[%dma_wait3A] : memref<32002048xf32, #tpu.memory_space<hbm>> -> memref<4096xf32, #tpu.memory_space<hbm>>
    %dma_wait3A_34 = arith.constant 0 : i32
    %dma_wait3A_35 = tpu.memref_slice %arg3[%dma_wait3A_34] : memref<32002048xf32, #tpu.memory_space<hbm>> -> memref<4096xf32, #tpu.memory_space<hbm>>
    tpu.wait_dma2 semaphore(%arg10 : memref<!tpu.dma_semaphore, #tpu.memory_space<semaphore_mem>>) src(%arg6 : memref<4096xf32, #tpu.memory_space<vmem>>) dst(%dma_wait3A_35 : memref<4096xf32, #tpu.memory_space<hbm>>)
    %dma_wait3A_36 = arith.constant 0 : i32
    %dma_wait3A_37 = tpu.memref_slice %arg3[%dma_wait3A_36] : memref<32002048xf32, #tpu.memory_space<hbm>> -> memref<4096xf32, #tpu.memory_space<hbm>>
    %dma_wait3A_38 = arith.constant 0 : i32
    %dma_wait3A_39 = tpu.memref_slice %arg3[%dma_wait3A_38] : memref<32002048xf32, #tpu.memory_space<hbm>> -> memref<4096xf32, #tpu.memory_space<hbm>>
    tpu.wait_dma2 semaphore(%arg11 : memref<!tpu.dma_semaphore, #tpu.memory_space<semaphore_mem>>) src(%arg7 : memref<4096xf32, #tpu.memory_space<vmem>>) dst(%dma_wait3A_39 : memref<4096xf32, #tpu.memory_space<hbm>>)
    return
  }
}

</mosaic_0001>

<sc_bundles>
// kernel: _sc_detile.3.cloned.1.call-start
scs
__scs_entry_jumppad:
0x0: {  	(pc) =	sbr.rel $0x88, $3  }
0x1: {  	(tag) =	ssettag $0x0;
	lr =	simm.s32 $0x1  }
0x2: {  	[smem:$0x3FA0] =	sst lr;
	_ =	strace $0xD0000000  }
0x3: {  	_ = 	snop  }
0x4: {  	_ = 	snop  }
0x5: {  	_ = 	snop  }
0x6: {  	_ = 	snop  }
0x7: {  	_ = 	snop  }
__scs_overlays_trampoline_lowered:
0x8: {  	[smem:$0x3FAF] =	sst s0  }
0x9: {  	[smem:$0x3FB0] =	sst s1  }
0xa: {  	[smem:$0x3FB1] =	sst s2  }
0xb: {  	[smem:$0x3FB2] =	sst s3  }
0xc: {  	[smem:$0x3FB3] =	sst s4  }
0xd: {  	[smem:$0x3FB4] =	sst s5  }
0xe: {  	[smem:$0x3FB5] =	sst s6  }
0xf: {  	[smem:$0x3FB6] =	sst s7  }
0x10: {  	[smem:$0x3FB7] =	sst s8  }
0x11: {  	[smem:$0x3FB8] =	sst s9;
	s0 =	simm.s32 @!p0 $0x0  }
0x12: {  	s1 =	sld [smem:$0x3F9E];
	s0 =	simm.s32 @p0 $0x1  }
0x13: {  	[smem:$0x3FB9] =	sst s0;
	s0 =	simm.s32 @!p1 $0x0  }
0x14: {  	s2 =	sld [smem:$0x3F9D];
	s0 =	simm.s32 @p1 $0x1  }
0x15: {  	[smem:$0x3FBA] =	sst s0;
	s0 =	simm.s32 @!p2 $0x0  }
0x16: {  	s3 =	sld [smem:$0x3FDB];
	s0 =	simm.s32 @p2 $0x1  }
0x17: {  	s4 =	simm.s32 $0x1BF5;
	[smem:$0x3FBC] =	sst s0  }
0x18: {  	s0 =	sld [smem:$0x3F9F];
	_ =	swait.ge [sflag:s4], $0x0  }
0x19: {  	s7 =	sld [smem:$0x3FA0]  }
0x1a: {  	s8 =	sadd.s32 $0xFFFFE003, lr  }
0x1b: {  	s9 =	sadd.s32 $0xFFFFFEF7, lr;
	s5 =	simm.s32 $0xFFFFFFFF;
	p2 =	slt.u32 s8, $0xFFFFF086  }
0x1c: {  	p1 =	slt.u32 s9, $0xF7A;
	s5 =	simm.s32 @!p2 $0x0  }
0x1d: {  	s5 =	simm.s32 @p1 $0x1;
	p0 =	seq.s32 s7, s2  }
0x1e: {  	s7 =	smul.u32 @!p0 $0xF7A, s2;
	p2 =	seq.s32 @!p0 s5, $0x0  }
0x1f: {  	s9 =	smul.u32 $0xF7A, s1;
	s8 =	simm.s32 @!p0 $0x1BF5;
	p2 =	por !p2, p0  }
0x20: {  	[sflag:s8] =	ssyncset.s32 @!p0 $0xFFFFF086;
	s6 =	sadd.s32 @!p0 s3, s7;
	s7 =	simm.s32 @!p0 $0x108  }
0x21: {  	s3 =	sadd.s32 s3, s9;
	s6 =	sadd.s32 @!p0 $0x88, s6;
	s7 =	simm.s32 @p2 $0x1082  }
0x22: {  	[simem:s7], [sflag:s8] =	dma.local @!p0 [hbm:s6], $0xF7A  }
0x23: {  	s9 =	sor.u32 $0xD0000000, s2;
	s6 =	simm.s32 $0x108;
	_ =	swait.ge @!p0 [sflag:s8], $0x0  }
0x24: {  	s3 =	sadd.s32 $0x88, s3;
	s6 =	simm.s32 @!p1 $0x1082;
	[sflag:s4] =	ssyncset.s32 $0xFFFFF086  }
0x25: {  	[simem:s6], [sflag:s4] =	dma.local [hbm:s3], $0xF7A  }
0x26: {  	[smem:$0x3FA0] =	sst s1;
	(tag) =	ssettag s2;
	_ =	strace s9  }
0x27: {  	s1 =	sld [smem:$0x3FB0]  }
0x28: {  	s2 =	sld [smem:$0x3FB1]  }
0x29: {  	s4 =	sld [smem:$0x3FB3]  }
0x2a: {  	p0 =	seq.s32 s5, $0x0;
	s5 =	sld [smem:$0x3FB4]  }
0x2b: {  	s6 =	sld [smem:$0x3FB5]  }
0x2c: {  	s7 =	sld [smem:$0x3FB6]  }
0x2d: {  	s3 =	simm.s32 $0x108;
	s8 =	sld [smem:$0x3FB7]  }
0x2e: {  	s3 =	simm.s32 @!p0 $0x1082;
	s9 =	sld [smem:$0x3FB8]  }
0x2f: {  	lr =	sadd.s32 s0, s3;
	s0 =	sld [smem:$0x3FAF]  }
0x30: {  	s3 =	sld [smem:$0x3FB2]  }
0x31: {  	[smem:$0x3FBB] =	sst s10  }
0x32: {  	s10 =	sld [smem:$0x3FB9];
	_ =	sdelay $0x3  }
0x33: {  	p0 =	seq.s32 s10, $0x1;
	s10 =	sld [smem:$0x3FBB];
	_ =	sdelay $0x3  }
0x34: {  	[smem:$0x3FBB] =	sst s10  }
0x35: {  	s10 =	sld [smem:$0x3FBA];
	_ =	sdelay $0x3  }
0x36: {  	p1 =	seq.s32 s10, $0x1;
	s10 =	sld [smem:$0x3FBB];
	_ =	sdelay $0x3  }
0x37: {  	[smem:$0x3FBB] =	sst s10  }
0x38: {  	s10 =	sld [smem:$0x3FBC]  }
0x39: {  	_ = 	snop;
	(pc) =	sbr.ind lr, $3  }
0x3a: {  	_ = 	snop  }
0x3b: {  	_ = 	snop  }
0x3c: {  	p2 =	seq.s32 s10, $0x1;
	s10 =	sld [smem:$0x3FBB]  }
0x3d: {  	_ =	shalt  }
0x3e: {  	_ =	shalt  }
0x3f: {  	_ =	shalt  }
0x40: {  	_ =	shalt  }
0x41: {  	_ =	shalt  }
0x42: {  	_ =	shalt  }
0x43: {  	_ =	shalt  }
0x44: {  	_ =	shalt  }
0x45: {  	_ =	shalt  }
0x46: {  	_ =	shalt  }
0x47: {  	_ =	shalt  }
0x48: {  	_ =	shalt  }
0x49: {  	_ =	shalt  }
0x4a: {  	_ =	shalt  }
0x4b: {  	_ =	shalt  }
0x4c: {  	_ =	shalt  }
0x4d: {  	_ =	shalt  }
0x4e: {  	_ =	shalt  }
0x4f: {  	_ =	shalt  }
0x50: {  	_ =	shalt  }
0x51: {  	_ =	shalt  }
0x52: {  	_ =	shalt  }
0x53: {  	_ =	shalt  }
0x54: {  	_ =	shalt  }
0x55: {  	_ =	shalt  }
0x56: {  	_ =	shalt  }
0x57: {  	_ =	shalt  }
0x58: {  	_ =	shalt  }
0x59: {  	_ =	shalt  }
0x5a: {  	_ =	shalt  }
0x5b: {  	_ =	shalt  }
0x5c: {  	_ =	shalt  }
0x5d: {  	_ =	shalt  }
0x5e: {  	_ =	shalt  }
0x5f: {  	_ =	shalt  }
0x60: {  	_ =	shalt  }
0x61: {  	_ =	shalt  }
0x62: {  	_ =	shalt  }
0x63: {  	_ =	shalt  }
0x64: {  	_ =	shalt  }
0x65: {  	_ =	shalt  }
0x66: {  	_ =	shalt  }
0x67: {  	_ =	shalt  }
0x68: {  	_ =	shalt  }
0x69: {  	_ =	shalt  }
0x6a: {  	_ =	shalt  }
0x6b: {  	_ =	shalt  }
0x6c: {  	_ =	shalt  }
0x6d: {  	_ =	shalt  }
0x6e: {  	_ =	shalt  }
0x6f: {  	_ =	shalt  }
0x70: {  	_ =	shalt  }
0x71: {  	_ =	shalt  }
0x72: {  	_ =	shalt  }
0x73: {  	_ =	shalt  }
0x74: {  	_ =	shalt  }
0x75: {  	_ =	shalt  }
0x76: {  	_ =	shalt  }
0x77: {  	_ =	shalt  }
0x78: {  	_ =	shalt  }
0x79: {  	_ =	shalt  }
0x7a: {  	_ =	shalt  }
0x7b: {  	_ =	shalt  }
0x7c: {  	_ =	shalt  }
0x7d: {  	_ =	shalt  }
0x7e: {  	_ =	shalt  }
0x7f: {  	_ =	shalt  }
0x80: {  	_ =	shalt  }
0x81: {  	_ =	shalt  }
0x82: {  	_ =	shalt  }
0x83: {  	_ =	shalt  }
0x84: {  	_ =	shalt  }
0x85: {  	_ =	shalt  }
0x86: {  	_ =	shalt  }
0x87: {  	_ =	shalt  }
.Lfunc_end0:
.L_simem_size_0:
called_computation_lowered:
.L_overlay_start_0:
0x88: {  	s2 =	sld [smem:$0x3FD9]  }
0x89: {  	s3 =	sld [smem:$0x3FFE];
	_ =	sdelay $0x1  }
0x8a: {  	s1 =	srdreg.scid  }
0x8b: {  	s0 =	sand.u32 $0x1, s1  }
0x8c: {  	s18 =	sshll.u32 s0, $0xA;
	s2 =	sadd.s32 s3, s2  }
0x8d: {  	s2 =	sadd.s32 s2, s18  }
0x8e: {  	[smem:$0x3FC7] =	sst s2  }
0x8f: {  	_ = 	snop  }
0x90: {  	s2 =	sld [smem:$0x3FC9]  }
0x91: {  	s19 =	sld [smem:$0x3FD0];
	(tm) =	ssettm $0x1  }
0x92: {  	s4 =	sld [smem:$0x3FFB];
	_ =	sdelay $0x3  }
0x93: {  	_ =	strace s4  }
0x94: {  	s4 =	sld [smem:$0x3FFC];
	_ =	sdelay $0x3  }
0x95: {  	_ =	strace s4  }
0x96: {  	s4 =	sld [smem:$0x3FFD];
	_ =	sdelay $0x3  }
0x97: {  	_ =	strace s4  }
0x98: {  	_ =	strace $0x8FFFFFFF  }
0x99: {  	s20 =	sld [smem:$0x3FDB];
	_ =	sdelay $0x1  }
0x9a: {  	s5 =	simm.s32 $_scs_section_size  }
0x9b: {  	s6 =	simm.s32 $_size__tile_overlayer_lowered;
	s7 =	simm.s32 $_tile_overlayer_lowered  }
0x9c: {  	s23 =	simm.s32 $0x1BFF;
	s22 =	sshll.u32 s7, $0x1;
	s4 =	sadd.s32 s5, s20  }
0x9d: {  	s8 =	simm.s32 $0x0;
	s21 =	sshll.u32 s6, $0x1;
	s6 =	sadd.s32 s22, s4  }
0x9e: {  	[timem:s8], [sflag:s23] =	dma.local [hbm:s6], s21  }
0x9f: {  	_ =	swait.ge [sflag:s23], s21  }
0xa0: {  	s5 =	ssub.s32 $0x0, s21;
	[sflag:s23] =	ssyncset.done $0x0  }
0xa1: {  	[sflag:s23] =	ssyncadd.s32 s5;
	_ =	sdelay $0x1  }
0xa2: {  	s24 =	simm.s32 $0x1B8B  }
0xa3: {  	_ =	swait.ge [sflag:s24], $0x1  }
0xa4: {  	[sflag:s24] =	ssyncset.done $0x0  }
0xa5: {  	s25 =	simm.s32 $0x1B8E;
	[sflag:s24] =	ssyncadd.s32 $0xFFFFFFFF  }
0xa6: {  	s26 =	simm.s32 $execute0_lowered;
	[smem:$0x3FD2] =	sst s25  }
0xa7: {  	s5 =	sshll.u32 s26, $0x1;
	_ =	strace $0x80000046;
	[dreg:$0x1] =	wrdreg $0xFFFFFFFF  }
0xa8: {  	s28 =	simm.s32 $_size_execute0_lowered;
	s4 =	sadd.s32 s4, s5;
	[dreg:$0x0] =	wrdreg $0x0  }
0xa9: {  	s5 =	sshll.u32 s28, $0x1;
	[dreg:$0x2] =	wrdreg s4  }
0xaa: {  	[dreg:$0x3] =	wrdreg s5  }
0xab: {  	[dreg:$0x4] =	wrdreg $0xC0  }
0xac: {  	_ =	task [dreg:s8], $0x5FFFF  }
0xad: {  	[dreg:$0x1] =	wrdreg $0xFFFFFFFF  }
0xae: {  	[dreg:$0x0] =	wrdreg $0x60  }
0xaf: {  	[dreg:$0x2] =	wrdreg s2  }
0xb0: {  	[dreg:$0x3] =	wrdreg s19  }
0xb1: {  	[dreg:$0x4] =	wrdreg $0x9  }
0xb2: {  	_ =	task.clear_ibuf [dreg:s8], $0x5FFFF;
	_ =	strace $0x90000046  }
0xb3: {  	s29 =	simm.s32 $0x9;
	_ =	strace $0x80000048  }
0xb4: {  	_ =	swait.ge [sflag:s29], $0x1  }
0xb5: {  	[sflag:s29] =	ssyncadd.s32 $0xFFFFFFFF  }
0xb6: {  	_ =	strace $0x90000048  }
0xb7: {  	_ =	sfence  }
0xb8: {  	s30 =	sld [smem:$0x0];
	_ =	sdelay $0x2  }
0xb9: {  	s31 =	sshll.u32 s1, $0xD;
	s1 =	sshrl.u32 s1, $0x2  }
0xba: {  	s3 =	sand.u32 $0x4000, s31;
	s1 =	sadd.s32 s1, s30  }
0xbb: {  	s0 =	sor.u32 s3, s0;
	s1 =	sshll.u32 s1, $0x11  }
0xbc: {  	s0 =	sor.u32 s1, s0  }
0xbd: {  	s0 =	sadd.s32 $0x8F2B, s0  }
0xbe: {  	[sflag:s0] =	ssyncadd.remote.s32 $0x1  }
0xbf: {  	_ =	sfence.sel $0xFFFF  }
0xc0: {  	[dreg:$0x0] =	wrdreg $0xFFFFFFFF;
	(pc) =	sbr.abs _section_cstart, $3  }
0xc1: {  	[dreg:$0x1] =	wrdreg $0xFFFFFFFF  }
0xc2: {  	_ =	task.clear_ibuf [dreg:s8], $0x2FFFF;
	_ =	strace $0x9FFFFFFF  }
0xc3: {  	(tm) =	ssettm $0x7FFFFFFF  }
tec
execute0_lowered:
.L_overlay_start_1:
0x0: {  	(tag) =	ssettag $0x1  }
0x1: {  	s2 =	rddreg [dreg:$0x0]  }
0x2: {  	s3 =	rddreg [dreg:$0x1];
	s4 =	srdreg.scid  }
0x3: {  	s1 =	stileid.u32;
	s0 =	rddreg [dreg:$0x2]  }
0x4: {  	s10 =	simm.s32 $0x7A1400;
	s11 =	simm.s32 $0x1;
	s12 =	simm.s32 $0x2000  }
0x5: {  	s13 =	simm.s32 $0x2;
	s14 =	simm.s32 $0x1000;
	s15 =	simm.s32 $0x3000  }
0x6: {  	v0 =	vlaneseq.u32;
	s16 =	simm.s32 $0x3;
	s17 =	simm.s32 $0x4;
	s18 =	simm.s32 $0x0  }
.Ltmp0:
0x7: {  	s5 =	sand.u32 $0x1, s4;
	s6 =	sshll.u32 s1, $0x1;
	v1 =	vmul.u32 $0x20, v0;
	v2 =	vor.u32 $0x10, v0;
	v4 =	vor.u32 $0x20, v0;
	(pc) =	sbr.rel .LBB2_1-.Ltmp0, $4  }
0x8: {  	s4 =	simm.s32 $0x0;
	v6 =	vor.u32 $0x30, v0;
	v8 =	vor.u32 $0x40, v0;
	v10 =	vor.u32 $0x50, v0;
	s7 =	ssub.s32 $0x2, s5;
	s5 =	sor.u32 s5, s6  }
0x9: {  	v12 =	vor.u32 $0x60, v0;
	v14 =	vor.u32 $0x70, v0;
	[smem:$0x7FF] =	sst s4;
	s31 =	sshrl.u32 s7, $0x1;
	s8 =	sshll.u32 s5, $0x7;
	v3 =	vor.u32 $0x200, v1  }
0xa: {  	_ =	strace $0x80000047;
	v5 =	vor.u32 $0x400, v1;
	v7 =	vor.u32 $0x600, v1;
	v9 =	vor.u32 $0x800, v1;
	s9 =	ssub.s32 s7, s31;
	s6 =	sadd.s32 s2, s8  }
0xb: {  	v11 =	vor.u32 $0xA00, v1;
	v13 =	vor.u32 $0xC00, v1;
	v15 =	vor.u32 $0xE00, v1;
	s7 =	sor.u32 $0x40, s5;
	s8 =	smax.u32 s9, $0x1;
	s9 =	simm.s32 $0x400  }
.LBB2_11:
0xc: {  	s18 =	sadd.s32 $0x1, s18  }
0xd: {  	_ =	swait.ge [sflag:s16], $0x1000;
	p0 =	sne.s32 s18, s8  }
.Ltmp1:
0xe: {  	[sflag:s16] =	ssyncset.done $0x0;
	(pc) =	sbr.rel @!p0 .LBB2_12-.Ltmp1, $4  }
0xf: {  	[sflag:s16] =	ssyncadd.s32 $0xFFFFF000  }
0x10: {  	_ =	swait.ge [sflag:s17], $0x1000  }
0x11: {  	[sflag:s17] =	ssyncset.done $0x0  }
0x12: {  	[sflag:s17] =	ssyncadd.s32 $0xFFFFF000  }
.LBB2_1:
.Ltmp2:
0x13: {  	(pc) =	sbr.rel .LBB2_2-.Ltmp2, $3  }
0x14: {  	_ =	sdelay $0x1  }
0x15: {  	[tilespmem:s4], [sflag:$0x1] =	stream.strided.gather [hbm4b:s6+s9], $0x1000, s10, s9, $0x38;
	[tilespmem:$0x4000] =	vst v63  }
0x16: {  	s19 =	simm.s32 $0x0  }
.LBB2_10:
0x17: {  	s19 =	sadd.s32 $0x1, s19  }
0x18: {  	p0 =	sne.s32 s19, $0x7B  }
.Ltmp3:
0x19: {  	_ = 	snop;
	(pc) =	sbr.rel @!p0 .LBB2_11-.Ltmp3, $1  }
0x1a: {  	_ =	sdelay $0x3  }
.LBB2_2:
0x1b: {  	s21 =	sshll.u32 s19, $0x6  }
0x1c: {  	s22 =	sor.u32 s5, s21  }
0x1d: {  	p2 =	sgt.u32 s22, $0x1E84  }
.Ltmp4:
0x1e: {  	s20 =	sor.u32 $0x20, s22;
	(pc) =	sbr.rel @p2 .LBB2_6-.Ltmp4, $4  }
0x1f: {  	p1 =	sgt.u32 s20, $0x1E84  }
0x20: {  	p0 =	seq.s32 s19, $0x0;
	s23 =	sshll.u32 @!p1 s20, $0x7;
	s24 =	simm.s32 @!p1 $0x400  }
0x21: {  	s25 =	simm.s32 @!p1 $0x7A1400;
	s26 =	simm.s32 @!p1 $0x1000;
	s23 =	sadd.s32 @!p1 s2, s23  }
0x22: {  	[tilespmem:s26], [sflag:$0x2] =	stream.strided.gather @!p1 [hbm4b:s23+s24], $0x1000, s25, s24, $0x38;
	[tilespmem:$0x4000] =	vst v63  }
0x23: {  	v27 =	vlaneseq.u32  }
0x24: {  	v16 =	vadd.s32 $0x1, v27  }
0x25: {  	v32 =	vand.u32 $0x1F, v16  }
0x26: {  	_ =	swait.ge [sflag:s11], $0x1000;
	v30 =	vshll.u32 v32, $0x7  }
0x27: {  	[sflag:s11] =	ssyncset.done $0x0;
	v31 =	vshll.u32 v27, $0x7;
	v16 =	vor.u32 v0, v30  }
0x28: {  	s23 =	simm.s32 @!p0 $0x3;
	[sflag:s11] =	ssyncadd.s32 $0xFFFFF000;
	v17 =	vor.u32 v0, v31  }
0x29: {  	_ =	swait.ge @!p0 [sflag:s23], $0x1000  }
0x2a: {  	[sflag:s23] =	ssyncset.done @!p0 $0x0  }
0x2b: {  	[sflag:s23] =	ssyncadd.s32 @!p0 $0xFFFFF000  }
0x2c: {  	v18 =	vor.u32 v1, v32;
	v16 =	vld.idx.msk [tilespmem:v16+s4+$0x0], $0xffff  }
0x2d: {  	v19 =	vor.u32 v1, v27;
	v20 =	vor.u32 v2, v30;
	v17 =	vld.idx.msk [tilespmem:v17+s4+$0x0], $0xffff  }
0x2e: {  	v21 =	vor.u32 v2, v31;
	_ =	sdelay $0x2  }
0x2f: {  	[tilespmem:v18+s12+$0x0] =	vst.idx.msk $0xffff, v16  }
0x30: {  	v22 =	vor.u32 v3, v32;
	[tilespmem:v19+s12+$0x0] =	vst.idx.msk $0xffff, v17;
	v16 =	vadd.s32 $0x2, v27;
	v20 =	vld.idx.msk [tilespmem:v20+s4+$0x0], $0xffff  }
0x31: {  	v23 =	vor.u32 v3, v27;
	v24 =	vor.u32 v4, v30;
	v21 =	vld.idx.msk [tilespmem:v21+s4+$0x0], $0xffff;
	v16 =	vand.u32 $0x1F, v16  }
0x32: {  	v25 =	vor.u32 v4, v31;
	v17 =	vadd.s32 $0x1, v16  }
0x33: {  	v17 =	vand.u32 $0x1F, v17  }
0x34: {  	v19 =	vshll.u32 v17, $0x7  }
0x35: {  	v18 =	vshll.u32 v16, $0x7;
	v26 =	vor.u32 v0, v19;
	[tilespmem:v22+s12+$0x0] =	vst.idx.msk $0xffff, v20  }
0x36: {  	[tilespmem:v23+s12+$0x0] =	vst.idx.msk $0xffff, v21;
	v20 =	vor.u32 v0, v18;
	v22 =	vor.u32 v5, v32;
	v21 =	vld.idx.msk [tilespmem:v24+s4+$0x0], $0xffff  }
0x37: {  	v23 =	vld.idx.msk [tilespmem:v25+s4+$0x0], $0xffff;
	v25 =	vor.u32 v6, v30;
	v24 =	vor.u32 v5, v27  }
0x38: {  	v28 =	vor.u32 v6, v31  }
0x39: {  	v36 =	vor.u32 v11, v27  }
0x3a: {  	v41 =	vor.u32 v9, v27;
	v35 =	vor.u32 v8, v31;
	v29 =	vor.u32 v1, v17;
	v26 =	vld.idx.msk [tilespmem:v26+s4+$0x0], $0xffff  }
0x3b: {  	v33 =	vor.u32 v1, v16;
	v34 =	vor.u32 v2, v19;
	v20 =	vld.idx.msk [tilespmem:v20+s4+$0x0], $0xffff;
	[tilespmem:v22+s12+$0x0] =	vst.idx.msk $0xffff, v21  }
0x3c: {  	v21 =	vor.u32 v2, v18;
	[tilespmem:v24+s12+$0x0] =	vst.idx.msk $0xffff, v23;
	v23 =	vor.u32 v7, v32;
	v22 =	vld.idx.msk [tilespmem:v25+s4+$0x0], $0xffff  }
0x3d: {  	v43 =	vor.u32 v10, v31;
	v24 =	vld.idx.msk [tilespmem:v28+s4+$0x0], $0xffff;
	v25 =	vor.u32 v7, v27;
	v28 =	vor.u32 v8, v30  }
0x3e: {  	v62 =	vor.u32 v12, v31;
	v37 =	vor.u32 v11, v32;
	v40 =	vor.u32 v9, v32  }
0x3f: {  	v42 =	vor.u32 v10, v30;
	v63 =	vor.u32 v12, v30;
	[tilespmem:v29+s12+$0x0] =	vst.idx.msk $0xffff, v26  }
0x40: {  	v55 =	vor.u32 v3, v16;
	v56 =	vor.u32 v3, v17;
	[tilespmem:v33+s12+$0x0] =	vst.idx.msk $0xffff, v20;
	v26 =	vld.idx.msk [tilespmem:v34+s4+$0x0], $0xffff  }
0x41: {  	v39 =	vor.u32 v4, v19;
	v20 =	vadd.s32 $0x2, v16;
	v29 =	vld.idx.msk [tilespmem:v21+s4+$0x0], $0xffff;
	[tilespmem:v23+s12+$0x0] =	vst.idx.msk $0xffff, v22  }
0x42: {  	v38 =	vor.u32 v4, v18;
	v20 =	vand.u32 $0x1F, v20;
	[tilespmem:v25+s12+$0x0] =	vst.idx.msk $0xffff, v24;
	v25 =	vld.idx.msk [tilespmem:v28+s4+$0x0], $0xffff  }
0x43: {  	v45 =	vor.u32 v5, v16;
	v46 =	vor.u32 v6, v18;
	v21 =	vadd.s32 $0x1, v20;
	v35 =	vld.idx.msk [tilespmem:v35+s4+$0x0], $0xffff  }
0x44: {  	v59 =	vor.u32 v5, v17;
	v22 =	vshll.u32 v20, $0x7;
	v21 =	vand.u32 $0x1F, v21  }
0x45: {  	v60 =	vor.u32 v6, v19;
	v44 =	vor.u32 v0, v22;
	v23 =	vshll.u32 v21, $0x7;
	[tilespmem:v56+s12+$0x0] =	vst.idx.msk $0xffff, v26  }
0x46: {  	v49 =	vor.u32 v10, v19;
	v57 =	vor.u32 v0, v23;
	[tilespmem:v55+s12+$0x0] =	vst.idx.msk $0xffff, v29;
	v58 =	vld.idx.msk [tilespmem:v39+s4+$0x0], $0xffff  }
0x47: {  	v30 =	vor.u32 v14, v30;
	v24 =	vor.u32 v11, v17;
	v38 =	vld.idx.msk [tilespmem:v38+s4+$0x0], $0xffff;
	[tilespmem:v40+s12+$0x0] =	vst.idx.msk $0xffff, v25  }
0x48: {  	v47 =	vor.u32 v1, v20;
	v50 =	vor.u32 v3, v20;
	[tilespmem:v41+s12+$0x0] =	vst.idx.msk $0xffff, v35;
	v61 =	vld.idx.msk [tilespmem:v42+s4+$0x0], $0xffff  }
0x49: {  	v28 =	vor.u32 v11, v16;
	v52 =	vor.u32 v2, v22;
	v51 =	vor.u32 v4, v22;
	v41 =	vld.idx.msk [tilespmem:v43+s4+$0x0], $0xffff  }
0x4a: {  	v48 =	vor.u32 v1, v21;
	v26 =	vor.u32 v11, v21;
	v53 =	vor.u32 v2, v23;
	v44 =	vld.idx.msk [tilespmem:v44+s4+$0x0], $0xffff  }
0x4b: {  	v29 =	vor.u32 v15, v27;
	v55 =	vor.u32 v7, v17;
	v34 =	vld.idx.msk [tilespmem:v57+s4+$0x0], $0xffff;
	[tilespmem:v59+s12+$0x0] =	vst.idx.msk $0xffff, v58  }
0x4c: {  	v39 =	vor.u32 v15, v32;
	v25 =	vor.u32 v11, v20;
	[tilespmem:v45+s12+$0x0] =	vst.idx.msk $0xffff, v38;
	v54 =	vld.idx.msk [tilespmem:v60+s4+$0x0], $0xffff  }
0x4d: {  	v40 =	vor.u32 v7, v16;
	v46 =	vld.idx.msk [tilespmem:v46+s4+$0x0], $0xffff;
	[tilespmem:v37+s12+$0x0] =	vst.idx.msk $0xffff, v61;
	v37 =	vor.u32 v8, v19  }
0x4e: {  	v35 =	vor.u32 v8, v18;
	v58 =	vor.u32 v13, v32;
	[tilespmem:v36+s12+$0x0] =	vst.idx.msk $0xffff, v41;
	v56 =	vld.idx.msk [tilespmem:v63+s4+$0x0], $0xffff  }
0x4f: {  	v43 =	vor.u32 v6, v22;
	v57 =	vor.u32 v13, v27;
	[tilespmem:v47+s12+$0x0] =	vst.idx.msk $0xffff, v44;
	v42 =	vld.idx.msk [tilespmem:v62+s4+$0x0], $0xffff  }
0x50: {  	v27 =	vadd.s32 $0x2, v20;
	v60 =	vor.u32 v14, v31;
	[tilespmem:v48+s12+$0x0] =	vst.idx.msk $0xffff, v34;
	v63 =	vld.idx.msk [tilespmem:v52+s4+$0x0], $0xffff  }
0x51: {  	v27 =	vand.u32 $0x1F, v27;
	v62 =	vor.u32 v3, v21;
	v61 =	vld.idx.msk [tilespmem:v53+s4+$0x0], $0xffff;
	[tilespmem:v55+s12+$0x0] =	vst.idx.msk $0xffff, v54  }
0x52: {  	v52 =	vor.u32 v4, v23;
	v53 =	vor.u32 v9, v17;
	[tilespmem:v40+s12+$0x0] =	vst.idx.msk $0xffff, v46;
	v37 =	vld.idx.msk [tilespmem:v37+s4+$0x0], $0xffff  }
0x53: {  	v59 =	vor.u32 v9, v16;
	v31 =	vadd.s32 $0x1, v27;
	v54 =	vld.idx.msk [tilespmem:v35+s4+$0x0], $0xffff;
	[tilespmem:v58+s12+$0x0] =	vst.idx.msk $0xffff, v56  }
0x54: {  	v45 =	vor.u32 v6, v23;
	v35 =	vor.u32 v10, v18;
	[tilespmem:v57+s12+$0x0] =	vst.idx.msk $0xffff, v42;
	v38 =	vld.idx.msk [tilespmem:v30+s4+$0x0], $0xffff  }
0x55: {  	v31 =	vand.u32 $0x1F, v31;
	v44 =	vor.u32 v5, v21;
	[tilespmem:v50+s12+$0x0] =	vst.idx.msk $0xffff, v63;
	v36 =	vld.idx.msk [tilespmem:v60+s4+$0x0], $0xffff  }
0x56: {  	v32 =	vshll.u32 v27, $0x7;
	v33 =	vshll.u32 v31, $0x7;
	v34 =	vor.u32 v11, v31;
	[tilespmem:v62+s12+$0x0] =	vst.idx.msk $0xffff, v61;
	v40 =	vld.idx.msk [tilespmem:v51+s4+$0x0], $0xffff  }
0x57: {  	v47 =	vor.u32 v0, v33;
	v46 =	vor.u32 v0, v32;
	v41 =	vld.idx.msk [tilespmem:v52+s4+$0x0], $0xffff;
	[tilespmem:v53+s12+$0x0] =	vst.idx.msk $0xffff, v37  }
0x58: {  	s23 =	simm.s32 $0x6;
	v42 =	vor.u32 v5, v20;
	v30 =	vor.u32 v11, v27;
	[tilespmem:v59+s12+$0x0] =	vst.idx.msk $0xffff, v54;
	v37 =	vld.idx.msk [tilespmem:v49+s4+$0x0], $0xffff  }
.LBB2_4:
0x59: {  	v35 =	vld.idx.msk [tilespmem:v35+s4+$0x0], $0xffff;
	v48 =	vmovc v31;
	v31 =	vmov v18;
	v18 =	vmov v22;
	v22 =	vmov v32  }
0x5a: {  	s23 =	sadd.s32 $0x2, s23;
	[tilespmem:v39+s12+$0x0] =	vst.idx.msk $0xffff, v38;
	v32 =	vmovc v19;
	v19 =	vmovc v23;
	v23 =	vmov v33;
	v33 =	vmov v24;
	v24 =	vmov v26  }
0x5b: {  	v26 =	vmov v34;
	p2 =	slt.u32 s23, $0x1E;
	v38 =	vor.u32 v12, v31;
	v39 =	vor.u32 v12, v32;
	[tilespmem:v29+s12+$0x0] =	vst.idx.msk $0xffff, v36  }
0x5c: {  	v29 =	vor.u32 v15, v16;
	v34 =	vld.idx.msk [tilespmem:v47+s4+$0x0], $0xffff  }
0x5d: {  	v47 =	vor.u32 v1, v48;
	v36 =	vld.idx.msk [tilespmem:v46+s4+$0x0], $0xffff;
	v46 =	vor.u32 v1, v27;
	[tilespmem:v44+s12+$0x0] =	vst.idx.msk $0xffff, v41  }
0x5e: {  	v41 =	vor.u32 v2, v22;
	v44 =	vor.u32 v2, v23;
	[tilespmem:v42+s12+$0x0] =	vst.idx.msk $0xffff, v40;
	v40 =	vld.idx.msk [tilespmem:v45+s4+$0x0], $0xffff  }
0x5f: {  	v45 =	vor.u32 v7, v21;
	v42 =	vld.idx.msk [tilespmem:v43+s4+$0x0], $0xffff;
	v43 =	vor.u32 v7, v20;
	[tilespmem:v33+s12+$0x0] =	vst.idx.msk $0xffff, v37  }
0x60: {  	v33 =	vor.u32 v8, v18;
	v37 =	vor.u32 v8, v19;
	[tilespmem:v28+s12+$0x0] =	vst.idx.msk $0xffff, v35;
	v28 =	vld.idx.msk [tilespmem:v39+s4+$0x0], $0xffff  }
0x61: {  	v32 =	vor.u32 v14, v32;
	v39 =	vor.u32 v13, v16;
	v35 =	vor.u32 v13, v17;
	v38 =	vld.idx.msk [tilespmem:v38+s4+$0x0], $0xffff  }
0x62: {  	v49 =	vor.u32 v9, v20;
	v16 =	vmov v20;
	[tilespmem:v47+s12+$0x0] =	vst.idx.msk $0xffff, v34;
	v34 =	vor.u32 v14, v31  }
0x63: {  	v50 =	vor.u32 v10, v19;
	v20 =	vmov v27;
	v31 =	vadd.s32 $0x2, v27;
	[tilespmem:v46+s12+$0x0] =	vst.idx.msk $0xffff, v36;
	v44 =	vld.idx.msk [tilespmem:v44+s4+$0x0], $0xffff  }
0x64: {  	v51 =	vor.u32 v3, v27;
	v46 =	vor.u32 v3, v48;
	v41 =	vld.idx.msk [tilespmem:v41+s4+$0x0], $0xffff;
	[tilespmem:v45+s12+$0x0] =	vst.idx.msk $0xffff, v40  }
0x65: {  	v40 =	vor.u32 v4, v22;
	v45 =	vor.u32 v4, v23;
	[tilespmem:v43+s12+$0x0] =	vst.idx.msk $0xffff, v42;
	v37 =	vld.idx.msk [tilespmem:v37+s4+$0x0], $0xffff  }
0x66: {  	v27 =	vand.u32 $0x1F, v31;
	v43 =	vor.u32 v9, v21;
	v52 =	vld.idx.msk [tilespmem:v33+s4+$0x0], $0xffff;
	[tilespmem:v35+s12+$0x0] =	vst.idx.msk $0xffff, v28;
	v28 =	vmov v25  }
0x67: {  	v31 =	vadd.s32 $0x1, v27;
	v35 =	vor.u32 v10, v18;
	v25 =	vmov v30;
	[tilespmem:v39+s12+$0x0] =	vst.idx.msk $0xffff, v38;
	v38 =	vld.idx.msk [tilespmem:v32+s4+$0x0], $0xffff  }
.Ltmp5:
0x68: {  	v31 =	vand.u32 $0x1F, v31;
	v30 =	vor.u32 v11, v27;
	v39 =	vor.u32 v15, v17;
	v17 =	vmovc v21;
	v36 =	vld.idx.msk [tilespmem:v34+s4+$0x0], $0xffff;
	(pc) =	sbr.rel @p2 .LBB2_4-.Ltmp5, $4  }
0x69: {  	v33 =	vshll.u32 v31, $0x7;
	v32 =	vshll.u32 v27, $0x7;
	v21 =	vmovc v48;
	v34 =	vor.u32 v11, v31;
	[tilespmem:v46+s12+$0x0] =	vst.idx.msk $0xffff, v44  }
0x6a: {  	v47 =	vor.u32 v0, v33;
	v46 =	vor.u32 v0, v32;
	[tilespmem:v51+s12+$0x0] =	vst.idx.msk $0xffff, v41;
	v41 =	vld.idx.msk [tilespmem:v45+s4+$0x0], $0xffff  }
0x6b: {  	v42 =	vor.u32 v5, v20;
	v44 =	vor.u32 v5, v21;
	v40 =	vld.idx.msk [tilespmem:v40+s4+$0x0], $0xffff;
	[tilespmem:v43+s12+$0x0] =	vst.idx.msk $0xffff, v37  }
0x6c: {  	v45 =	vor.u32 v6, v23;
	v43 =	vor.u32 v6, v22;
	[tilespmem:v49+s12+$0x0] =	vst.idx.msk $0xffff, v52;
	v37 =	vld.idx.msk [tilespmem:v50+s4+$0x0], $0xffff  }
0x6d: {  	_ =	sdelay $0x3  }
0x6e: {  	v47 =	vld.idx.msk [tilespmem:v47+s4+$0x0], $0xffff;
	v48 =	vor.u32 v1, v31  }
0x6f: {  	v46 =	vld.idx.msk [tilespmem:v46+s4+$0x0], $0xffff;
	v49 =	vor.u32 v1, v27;
	v50 =	vor.u32 v2, v33  }
0x70: {  	v51 =	vor.u32 v2, v32;
	_ =	sdelay $0x2  }
0x71: {  	[tilespmem:v48+s12+$0x0] =	vst.idx.msk $0xffff, v47  }
0x72: {  	v58 =	vor.u32 v3, v31;
	[tilespmem:v49+s12+$0x0] =	vst.idx.msk $0xffff, v46;
	v57 =	vld.idx.msk [tilespmem:v50+s4+$0x0], $0xffff  }
0x73: {  	v60 =	vor.u32 v3, v27;
	v61 =	vor.u32 v4, v33;
	v59 =	vld.idx.msk [tilespmem:v51+s4+$0x0], $0xffff  }
0x74: {  	v62 =	vor.u32 v4, v32;
	_ =	sdelay $0x2  }
0x75: {  	[tilespmem:v58+s12+$0x0] =	vst.idx.msk $0xffff, v57  }
0x76: {  	v63 =	vor.u32 v5, v31;
	[tilespmem:v60+s12+$0x0] =	vst.idx.msk $0xffff, v59;
	v46 =	vld.idx.msk [tilespmem:v61+s4+$0x0], $0xffff  }
0x77: {  	v54 =	vor.u32 v5, v27;
	v55 =	vor.u32 v6, v33;
	v48 =	vld.idx.msk [tilespmem:v62+s4+$0x0], $0xffff  }
0x78: {  	v56 =	vor.u32 v6, v32;
	[tilespmem:v42+s12+$0x0] =	vst.idx.msk $0xffff, v40  }
0x79: {  	[tilespmem:v44+s12+$0x0] =	vst.idx.msk $0xffff, v41;
	v42 =	vld.idx.msk [tilespmem:v43+s4+$0x0], $0xffff;
	v59 =	vor.u32 v7, v20  }
0x7a: {  	v57 =	vld.idx.msk [tilespmem:v45+s4+$0x0], $0xffff;
	v58 =	vor.u32 v7, v21;
	v61 =	vor.u32 v8, v22  }
0x7b: {  	v60 =	vor.u32 v8, v23;
	[tilespmem:v63+s12+$0x0] =	vst.idx.msk $0xffff, v46  }
0x7c: {  	v62 =	vor.u32 v7, v31;
	[tilespmem:v54+s12+$0x0] =	vst.idx.msk $0xffff, v48;
	v46 =	vld.idx.msk [tilespmem:v55+s4+$0x0], $0xffff  }
0x7d: {  	v63 =	vor.u32 v7, v27;
	v54 =	vor.u32 v8, v33;
	v48 =	vld.idx.msk [tilespmem:v56+s4+$0x0], $0xffff  }
0x7e: {  	[tilespmem:v59+s12+$0x0] =	vst.idx.msk $0xffff, v42;
	v55 =	vor.u32 v8, v32  }
0x7f: {  	[tilespmem:v58+s12+$0x0] =	vst.idx.msk $0xffff, v57;
	v57 =	vor.u32 v9, v20;
	v59 =	vld.idx.msk [tilespmem:v61+s4+$0x0], $0xffff  }
0x80: {  	v40 =	vld.idx.msk [tilespmem:v60+s4+$0x0], $0xffff;
	v60 =	vor.u32 v10, v22  }
0x81: {  	v56 =	vor.u32 v9, v21;
	[tilespmem:v62+s12+$0x0] =	vst.idx.msk $0xffff, v46  }
0x82: {  	v58 =	vor.u32 v10, v23;
	v61 =	vor.u32 v9, v31;
	[tilespmem:v63+s12+$0x0] =	vst.idx.msk $0xffff, v48;
	v46 =	vld.idx.msk [tilespmem:v54+s4+$0x0], $0xffff  }
0x83: {  	[tilespmem:v39+s12+$0x0] =	vst.idx.msk $0xffff, v38;
	v62 =	vor.u32 v9, v27;
	v63 =	vor.u32 v10, v33;
	v48 =	vld.idx.msk [tilespmem:v55+s4+$0x0], $0xffff  }
0x84: {  	v52 =	vor.u32 v10, v32;
	[tilespmem:v57+s12+$0x0] =	vst.idx.msk $0xffff, v59  }
0x85: {  	[tilespmem:v29+s12+$0x0] =	vst.idx.msk $0xffff, v36;
	v53 =	vor.u32 v12, v19;
	v42 =	vld.idx.msk [tilespmem:v60+s4+$0x0], $0xffff  }
0x86: {  	v35 =	vld.idx.msk [tilespmem:v35+s4+$0x0], $0xffff;
	[tilespmem:v56+s12+$0x0] =	vst.idx.msk $0xffff, v40;
	v56 =	vor.u32 v12, v22  }
0x87: {  	v54 =	vor.u32 v12, v18;
	v41 =	vld.idx.msk [tilespmem:v58+s4+$0x0], $0xffff;
	[tilespmem:v61+s12+$0x0] =	vst.idx.msk $0xffff, v46  }
0x88: {  	v55 =	vor.u32 v12, v23;
	[tilespmem:v62+s12+$0x0] =	vst.idx.msk $0xffff, v48;
	v57 =	vld.idx.msk [tilespmem:v63+s4+$0x0], $0xffff  }
0x89: {  	[tilespmem:v24+s12+$0x0] =	vst.idx.msk $0xffff, v37;
	v59 =	vor.u32 v12, v33;
	v58 =	vld.idx.msk [tilespmem:v52+s4+$0x0], $0xffff  }
0x8a: {  	v60 =	vld.idx.msk [tilespmem:v53+s4+$0x0], $0xffff;
	[tilespmem:v25+s12+$0x0] =	vst.idx.msk $0xffff, v42;
	v61 =	vor.u32 v13, v17;
	v62 =	vor.u32 v12, v32  }
0x8b: {  	[tilespmem:v28+s12+$0x0] =	vst.idx.msk $0xffff, v35;
	v51 =	vor.u32 v13, v20;
	v46 =	vor.u32 v14, v19;
	v50 =	vld.idx.msk [tilespmem:v56+s4+$0x0], $0xffff  }
0x8c: {  	v45 =	vor.u32 v13, v16;
	v53 =	vor.u32 v14, v22;
	[tilespmem:v26+s12+$0x0] =	vst.idx.msk $0xffff, v41;
	v63 =	vld.idx.msk [tilespmem:v54+s4+$0x0], $0xffff  }
0x8d: {  	v47 =	vor.u32 v14, v18;
	v49 =	vor.u32 v13, v21;
	v48 =	vld.idx.msk [tilespmem:v55+s4+$0x0], $0xffff;
	[tilespmem:v34+s12+$0x0] =	vst.idx.msk $0xffff, v57  }
0x8e: {  	v52 =	vor.u32 v14, v23;
	v55 =	vor.u32 v13, v31;
	[tilespmem:v30+s12+$0x0] =	vst.idx.msk $0xffff, v58;
	v54 =	vld.idx.msk [tilespmem:v59+s4+$0x0], $0xffff  }
0x8f: {  	[tilespmem:v61+s12+$0x0] =	vst.idx.msk $0xffff, v60;
	v57 =	vor.u32 v13, v27;
	v58 =	vor.u32 v14, v33;
	v56 =	vld.idx.msk [tilespmem:v62+s4+$0x0], $0xffff  }
0x90: {  	v17 =	vor.u32 v15, v17;
	[tilespmem:v51+s12+$0x0] =	vst.idx.msk $0xffff, v50;
	v19 =	vld.idx.msk [tilespmem:v46+s4+$0x0], $0xffff;
	v59 =	vor.u32 v14, v32  }
0x91: {  	v61 =	vor.u32 v15, v20;
	[tilespmem:v45+s12+$0x0] =	vst.idx.msk $0xffff, v63;
	v22 =	vld.idx.msk [tilespmem:v53+s4+$0x0], $0xffff  }
0x92: {  	v16 =	vor.u32 v15, v16;
	[tilespmem:v49+s12+$0x0] =	vst.idx.msk $0xffff, v48;
	v18 =	vld.idx.msk [tilespmem:v47+s4+$0x0], $0xffff  }
0x93: {  	v60 =	vor.u32 v15, v21;
	v23 =	vld.idx.msk [tilespmem:v52+s4+$0x0], $0xffff;
	[tilespmem:v55+s12+$0x0] =	vst.idx.msk $0xffff, v54  }
0x94: {  	v62 =	vor.u32 v15, v31;
	[tilespmem:v57+s12+$0x0] =	vst.idx.msk $0xffff, v56;
	v24 =	vld.idx.msk [tilespmem:v58+s4+$0x0], $0xffff  }
0x95: {  	[tilespmem:v17+s12+$0x0] =	vst.idx.msk $0xffff, v19;
	v17 =	vor.u32 v15, v27;
	v63 =	vld.idx.msk [tilespmem:v59+s4+$0x0], $0xffff  }
0x96: {  	[tilespmem:v61+s12+$0x0] =	vst.idx.msk $0xffff, v22  }
0x97: {  	[tilespmem:v16+s12+$0x0] =	vst.idx.msk $0xffff, v18  }
0x98: {  	[tilespmem:v60+s12+$0x0] =	vst.idx.msk $0xffff, v23  }
0x99: {  	s22 =	sshll.u32 s22, $0x9;
	[tilespmem:v62+s12+$0x0] =	vst.idx.msk $0xffff, v24  }
0x9a: {  	s22 =	sadd.s32 s3, s22;
	[tilespmem:v17+s12+$0x0] =	vst.idx.msk $0xffff, v63  }
0x9b: {  	[hbm4b:s22+s4] =	stream.linear.scatter [tilespmem:s12], [sflag:$0x3], $0x1000, $0x38;
	[tilespmem:$0x4000] =	vst v63  }
.LBB2_6:
.Ltmp6:
0x9c: {  	s21 =	sadd.s32 s7, s21;
	(pc) =	sbr.rel @p1 .LBB2_10-.Ltmp6, $4  }
0x9d: {  	p2 =	sgt.u32 s21, $0x1E84  }
0x9e: {  	s21 =	sshll.u32 @!p2 s21, $0x7;
	s22 =	simm.s32 @!p2 $0x400  }
0x9f: {  	s23 =	simm.s32 @!p2 $0x7A1400;
	s24 =	simm.s32 @!p2 $0x0;
	s21 =	sadd.s32 @!p2 s2, s21  }
0xa0: {  	[tilespmem:s24], [sflag:$0x1] =	stream.strided.gather @!p2 [hbm4b:s21+s22], $0x1000, s23, s22, $0x38;
	[tilespmem:$0x4000] =	vst v63  }
0xa1: {  	v27 =	vlaneseq.u32  }
0xa2: {  	v16 =	vadd.s32 $0x1, v27  }
0xa3: {  	v32 =	vand.u32 $0x1F, v16  }
0xa4: {  	_ =	swait.ge [sflag:s13], $0x1000;
	v30 =	vshll.u32 v32, $0x7  }
0xa5: {  	[sflag:s13] =	ssyncset.done $0x0;
	v31 =	vshll.u32 v27, $0x7;
	v16 =	vor.u32 v0, v30  }
0xa6: {  	s21 =	simm.s32 @!p0 $0x4;
	[sflag:s13] =	ssyncadd.s32 $0xFFFFF000;
	v17 =	vor.u32 v0, v31  }
0xa7: {  	_ =	swait.ge @!p0 [sflag:s21], $0x1000  }
0xa8: {  	[sflag:s21] =	ssyncset.done @!p0 $0x0  }
0xa9: {  	[sflag:s21] =	ssyncadd.s32 @!p0 $0xFFFFF000  }
0xaa: {  	v18 =	vor.u32 v1, v32;
	v16 =	vld.idx.msk [tilespmem:v16+s14+$0x0], $0xffff  }
0xab: {  	v19 =	vor.u32 v1, v27;
	v20 =	vor.u32 v2, v30;
	v17 =	vld.idx.msk [tilespmem:v17+s14+$0x0], $0xffff  }
0xac: {  	v21 =	vor.u32 v2, v31;
	_ =	sdelay $0x2  }
0xad: {  	[tilespmem:v18+s15+$0x0] =	vst.idx.msk $0xffff, v16  }
0xae: {  	v22 =	vor.u32 v3, v32;
	[tilespmem:v19+s15+$0x0] =	vst.idx.msk $0xffff, v17;
	v16 =	vadd.s32 $0x2, v27;
	v20 =	vld.idx.msk [tilespmem:v20+s14+$0x0], $0xffff  }
0xaf: {  	v23 =	vor.u32 v3, v27;
	v24 =	vor.u32 v4, v30;
	v21 =	vld.idx.msk [tilespmem:v21+s14+$0x0], $0xffff;
	v16 =	vand.u32 $0x1F, v16  }
0xb0: {  	v25 =	vor.u32 v4, v31;
	v17 =	vadd.s32 $0x1, v16  }
0xb1: {  	v17 =	vand.u32 $0x1F, v17  }
0xb2: {  	v19 =	vshll.u32 v17, $0x7  }
0xb3: {  	v18 =	vshll.u32 v16, $0x7;
	v26 =	vor.u32 v0, v19;
	[tilespmem:v22+s15+$0x0] =	vst.idx.msk $0xffff, v20  }
0xb4: {  	[tilespmem:v23+s15+$0x0] =	vst.idx.msk $0xffff, v21;
	v20 =	vor.u32 v0, v18;
	v22 =	vor.u32 v5, v32;
	v21 =	vld.idx.msk [tilespmem:v24+s14+$0x0], $0xffff  }
0xb5: {  	v23 =	vld.idx.msk [tilespmem:v25+s14+$0x0], $0xffff;
	v25 =	vor.u32 v6, v30;
	v24 =	vor.u32 v5, v27  }
0xb6: {  	v28 =	vor.u32 v6, v31  }
0xb7: {  	v36 =	vor.u32 v11, v27  }
0xb8: {  	v41 =	vor.u32 v9, v27;
	v35 =	vor.u32 v8, v31;
	v29 =	vor.u32 v1, v17;
	v26 =	vld.idx.msk [tilespmem:v26+s14+$0x0], $0xffff  }
0xb9: {  	v33 =	vor.u32 v1, v16;
	v34 =	vor.u32 v2, v19;
	v20 =	vld.idx.msk [tilespmem:v20+s14+$0x0], $0xffff;
	[tilespmem:v22+s15+$0x0] =	vst.idx.msk $0xffff, v21  }
0xba: {  	v21 =	vor.u32 v2, v18;
	[tilespmem:v24+s15+$0x0] =	vst.idx.msk $0xffff, v23;
	v23 =	vor.u32 v7, v32;
	v22 =	vld.idx.msk [tilespmem:v25+s14+$0x0], $0xffff  }
0xbb: {  	v43 =	vor.u32 v10, v31;
	v24 =	vld.idx.msk [tilespmem:v28+s14+$0x0], $0xffff;
	v25 =	vor.u32 v7, v27;
	v28 =	vor.u32 v8, v30  }
0xbc: {  	v62 =	vor.u32 v12, v31;
	v37 =	vor.u32 v11, v32;
	v40 =	vor.u32 v9, v32  }
0xbd: {  	v42 =	vor.u32 v10, v30;
	v63 =	vor.u32 v12, v30;
	[tilespmem:v29+s15+$0x0] =	vst.idx.msk $0xffff, v26  }
0xbe: {  	v55 =	vor.u32 v3, v16;
	v56 =	vor.u32 v3, v17;
	[tilespmem:v33+s15+$0x0] =	vst.idx.msk $0xffff, v20;
	v26 =	vld.idx.msk [tilespmem:v34+s14+$0x0], $0xffff  }
0xbf: {  	v39 =	vor.u32 v4, v19;
	v20 =	vadd.s32 $0x2, v16;
	v29 =	vld.idx.msk [tilespmem:v21+s14+$0x0], $0xffff;
	[tilespmem:v23+s15+$0x0] =	vst.idx.msk $0xffff, v22  }
0xc0: {  	v38 =	vor.u32 v4, v18;
	v20 =	vand.u32 $0x1F, v20;
	[tilespmem:v25+s15+$0x0] =	vst.idx.msk $0xffff, v24;
	v25 =	vld.idx.msk [tilespmem:v28+s14+$0x0], $0xffff  }
0xc1: {  	v45 =	vor.u32 v5, v16;
	v46 =	vor.u32 v6, v18;
	v21 =	vadd.s32 $0x1, v20;
	v35 =	vld.idx.msk [tilespmem:v35+s14+$0x0], $0xffff  }
0xc2: {  	v59 =	vor.u32 v5, v17;
	v22 =	vshll.u32 v20, $0x7;
	v21 =	vand.u32 $0x1F, v21  }
0xc3: {  	v60 =	vor.u32 v6, v19;
	v44 =	vor.u32 v0, v22;
	v23 =	vshll.u32 v21, $0x7;
	[tilespmem:v56+s15+$0x0] =	vst.idx.msk $0xffff, v26  }
0xc4: {  	v49 =	vor.u32 v10, v19;
	v57 =	vor.u32 v0, v23;
	[tilespmem:v55+s15+$0x0] =	vst.idx.msk $0xffff, v29;
	v58 =	vld.idx.msk [tilespmem:v39+s14+$0x0], $0xffff  }
0xc5: {  	v30 =	vor.u32 v14, v30;
	v24 =	vor.u32 v11, v17;
	v38 =	vld.idx.msk [tilespmem:v38+s14+$0x0], $0xffff;
	[tilespmem:v40+s15+$0x0] =	vst.idx.msk $0xffff, v25  }
0xc6: {  	v47 =	vor.u32 v1, v20;
	v50 =	vor.u32 v3, v20;
	[tilespmem:v41+s15+$0x0] =	vst.idx.msk $0xffff, v35;
	v61 =	vld.idx.msk [tilespmem:v42+s14+$0x0], $0xffff  }
0xc7: {  	v28 =	vor.u32 v11, v16;
	v52 =	vor.u32 v2, v22;
	v51 =	vor.u32 v4, v22;
	v41 =	vld.idx.msk [tilespmem:v43+s14+$0x0], $0xffff  }
0xc8: {  	v48 =	vor.u32 v1, v21;
	v26 =	vor.u32 v11, v21;
	v53 =	vor.u32 v2, v23;
	v44 =	vld.idx.msk [tilespmem:v44+s14+$0x0], $0xffff  }
0xc9: {  	v29 =	vor.u32 v15, v27;
	v55 =	vor.u32 v7, v17;
	v34 =	vld.idx.msk [tilespmem:v57+s14+$0x0], $0xffff;
	[tilespmem:v59+s15+$0x0] =	vst.idx.msk $0xffff, v58  }
0xca: {  	v39 =	vor.u32 v15, v32;
	v25 =	vor.u32 v11, v20;
	[tilespmem:v45+s15+$0x0] =	vst.idx.msk $0xffff, v38;
	v54 =	vld.idx.msk [tilespmem:v60+s14+$0x0], $0xffff  }
0xcb: {  	v40 =	vor.u32 v7, v16;
	v46 =	vld.idx.msk [tilespmem:v46+s14+$0x0], $0xffff;
	[tilespmem:v37+s15+$0x0] =	vst.idx.msk $0xffff, v61;
	v37 =	vor.u32 v8, v19  }
0xcc: {  	v35 =	vor.u32 v8, v18;
	v58 =	vor.u32 v13, v32;
	[tilespmem:v36+s15+$0x0] =	vst.idx.msk $0xffff, v41;
	v56 =	vld.idx.msk [tilespmem:v63+s14+$0x0], $0xffff  }
0xcd: {  	v43 =	vor.u32 v6, v22;
	v57 =	vor.u32 v13, v27;
	[tilespmem:v47+s15+$0x0] =	vst.idx.msk $0xffff, v44;
	v42 =	vld.idx.msk [tilespmem:v62+s14+$0x0], $0xffff  }
0xce: {  	v27 =	vadd.s32 $0x2, v20;
	v60 =	vor.u32 v14, v31;
	[tilespmem:v48+s15+$0x0] =	vst.idx.msk $0xffff, v34;
	v63 =	vld.idx.msk [tilespmem:v52+s14+$0x0], $0xffff  }
0xcf: {  	v27 =	vand.u32 $0x1F, v27;
	v62 =	vor.u32 v3, v21;
	v61 =	vld.idx.msk [tilespmem:v53+s14+$0x0], $0xffff;
	[tilespmem:v55+s15+$0x0] =	vst.idx.msk $0xffff, v54  }
0xd0: {  	v52 =	vor.u32 v4, v23;
	v53 =	vor.u32 v9, v17;
	[tilespmem:v40+s15+$0x0] =	vst.idx.msk $0xffff, v46;
	v37 =	vld.idx.msk [tilespmem:v37+s14+$0x0], $0xffff  }
0xd1: {  	v59 =	vor.u32 v9, v16;
	v31 =	vadd.s32 $0x1, v27;
	v54 =	vld.idx.msk [tilespmem:v35+s14+$0x0], $0xffff;
	[tilespmem:v58+s15+$0x0] =	vst.idx.msk $0xffff, v56  }
0xd2: {  	v45 =	vor.u32 v6, v23;
	v35 =	vor.u32 v10, v18;
	[tilespmem:v57+s15+$0x0] =	vst.idx.msk $0xffff, v42;
	v38 =	vld.idx.msk [tilespmem:v30+s14+$0x0], $0xffff  }
0xd3: {  	v31 =	vand.u32 $0x1F, v31;
	v44 =	vor.u32 v5, v21;
	[tilespmem:v50+s15+$0x0] =	vst.idx.msk $0xffff, v63;
	v36 =	vld.idx.msk [tilespmem:v60+s14+$0x0], $0xffff  }
0xd4: {  	v32 =	vshll.u32 v27, $0x7;
	v33 =	vshll.u32 v31, $0x7;
	v34 =	vor.u32 v11, v31;
	[tilespmem:v62+s15+$0x0] =	vst.idx.msk $0xffff, v61;
	v40 =	vld.idx.msk [tilespmem:v51+s14+$0x0], $0xffff  }
0xd5: {  	v47 =	vor.u32 v0, v33;
	v46 =	vor.u32 v0, v32;
	v41 =	vld.idx.msk [tilespmem:v52+s14+$0x0], $0xffff;
	[tilespmem:v53+s15+$0x0] =	vst.idx.msk $0xffff, v37  }
0xd6: {  	s21 =	simm.s32 $0x6;
	v42 =	vor.u32 v5, v20;
	v30 =	vor.u32 v11, v27;
	[tilespmem:v59+s15+$0x0] =	vst.idx.msk $0xffff, v54;
	v37 =	vld.idx.msk [tilespmem:v49+s14+$0x0], $0xffff  }
.LBB2_8:
0xd7: {  	v35 =	vld.idx.msk [tilespmem:v35+s14+$0x0], $0xffff;
	v48 =	vmovc v31;
	v31 =	vmov v18;
	v18 =	vmov v22;
	v22 =	vmov v32  }
0xd8: {  	s21 =	sadd.s32 $0x2, s21;
	[tilespmem:v39+s15+$0x0] =	vst.idx.msk $0xffff, v38;
	v32 =	vmovc v19;
	v19 =	vmovc v23;
	v23 =	vmov v33;
	v33 =	vmov v24;
	v24 =	vmov v26  }
0xd9: {  	v26 =	vmov v34;
	p0 =	slt.u32 s21, $0x1E;
	v38 =	vor.u32 v12, v31;
	v39 =	vor.u32 v12, v32;
	[tilespmem:v29+s15+$0x0] =	vst.idx.msk $0xffff, v36  }
0xda: {  	v29 =	vor.u32 v15, v16;
	v34 =	vld.idx.msk [tilespmem:v47+s14+$0x0], $0xffff  }
0xdb: {  	v47 =	vor.u32 v1, v48;
	v36 =	vld.idx.msk [tilespmem:v46+s14+$0x0], $0xffff;
	v46 =	vor.u32 v1, v27;
	[tilespmem:v44+s15+$0x0] =	vst.idx.msk $0xffff, v41  }
0xdc: {  	v41 =	vor.u32 v2, v22;
	v44 =	vor.u32 v2, v23;
	[tilespmem:v42+s15+$0x0] =	vst.idx.msk $0xffff, v40;
	v40 =	vld.idx.msk [tilespmem:v45+s14+$0x0], $0xffff  }
0xdd: {  	v45 =	vor.u32 v7, v21;
	v42 =	vld.idx.msk [tilespmem:v43+s14+$0x0], $0xffff;
	v43 =	vor.u32 v7, v20;
	[tilespmem:v33+s15+$0x0] =	vst.idx.msk $0xffff, v37  }
0xde: {  	v33 =	vor.u32 v8, v18;
	v37 =	vor.u32 v8, v19;
	[tilespmem:v28+s15+$0x0] =	vst.idx.msk $0xffff, v35;
	v28 =	vld.idx.msk [tilespmem:v39+s14+$0x0], $0xffff  }
0xdf: {  	v32 =	vor.u32 v14, v32;
	v39 =	vor.u32 v13, v16;
	v35 =	vor.u32 v13, v17;
	v38 =	vld.idx.msk [tilespmem:v38+s14+$0x0], $0xffff  }
0xe0: {  	v49 =	vor.u32 v9, v20;
	v16 =	vmov v20;
	[tilespmem:v47+s15+$0x0] =	vst.idx.msk $0xffff, v34;
	v34 =	vor.u32 v14, v31  }
0xe1: {  	v50 =	vor.u32 v10, v19;
	v20 =	vmov v27;
	v31 =	vadd.s32 $0x2, v27;
	[tilespmem:v46+s15+$0x0] =	vst.idx.msk $0xffff, v36;
	v44 =	vld.idx.msk [tilespmem:v44+s14+$0x0], $0xffff  }
0xe2: {  	v51 =	vor.u32 v3, v27;
	v46 =	vor.u32 v3, v48;
	v41 =	vld.idx.msk [tilespmem:v41+s14+$0x0], $0xffff;
	[tilespmem:v45+s15+$0x0] =	vst.idx.msk $0xffff, v40  }
0xe3: {  	v40 =	vor.u32 v4, v22;
	v45 =	vor.u32 v4, v23;
	[tilespmem:v43+s15+$0x0] =	vst.idx.msk $0xffff, v42;
	v37 =	vld.idx.msk [tilespmem:v37+s14+$0x0], $0xffff  }
0xe4: {  	v27 =	vand.u32 $0x1F, v31;
	v43 =	vor.u32 v9, v21;
	v52 =	vld.idx.msk [tilespmem:v33+s14+$0x0], $0xffff;
	[tilespmem:v35+s15+$0x0] =	vst.idx.msk $0xffff, v28;
	v28 =	vmov v25  }
0xe5: {  	v31 =	vadd.s32 $0x1, v27;
	v35 =	vor.u32 v10, v18;
	v25 =	vmov v30;
	[tilespmem:v39+s15+$0x0] =	vst.idx.msk $0xffff, v38;
	v38 =	vld.idx.msk [tilespmem:v32+s14+$0x0], $0xffff  }
.Ltmp7:
0xe6: {  	v31 =	vand.u32 $0x1F, v31;
	v30 =	vor.u32 v11, v27;
	v39 =	vor.u32 v15, v17;
	v17 =	vmovc v21;
	v36 =	vld.idx.msk [tilespmem:v34+s14+$0x0], $0xffff;
	(pc) =	sbr.rel @p0 .LBB2_8-.Ltmp7, $4  }
0xe7: {  	v33 =	vshll.u32 v31, $0x7;
	v32 =	vshll.u32 v27, $0x7;
	v21 =	vmovc v48;
	v34 =	vor.u32 v11, v31;
	[tilespmem:v46+s15+$0x0] =	vst.idx.msk $0xffff, v44  }
0xe8: {  	v47 =	vor.u32 v0, v33;
	v46 =	vor.u32 v0, v32;
	[tilespmem:v51+s15+$0x0] =	vst.idx.msk $0xffff, v41;
	v41 =	vld.idx.msk [tilespmem:v45+s14+$0x0], $0xffff  }
0xe9: {  	v42 =	vor.u32 v5, v20;
	v44 =	vor.u32 v5, v21;
	v40 =	vld.idx.msk [tilespmem:v40+s14+$0x0], $0xffff;
	[tilespmem:v43+s15+$0x0] =	vst.idx.msk $0xffff, v37  }
0xea: {  	v45 =	vor.u32 v6, v23;
	v43 =	vor.u32 v6, v22;
	[tilespmem:v49+s15+$0x0] =	vst.idx.msk $0xffff, v52;
	v37 =	vld.idx.msk [tilespmem:v50+s14+$0x0], $0xffff  }
0xeb: {  	_ =	sdelay $0x3  }
0xec: {  	v47 =	vld.idx.msk [tilespmem:v47+s14+$0x0], $0xffff;
	v48 =	vor.u32 v1, v31  }
0xed: {  	v46 =	vld.idx.msk [tilespmem:v46+s14+$0x0], $0xffff;
	v49 =	vor.u32 v1, v27;
	v50 =	vor.u32 v2, v33  }
0xee: {  	v51 =	vor.u32 v2, v32;
	_ =	sdelay $0x2  }
0xef: {  	[tilespmem:v48+s15+$0x0] =	vst.idx.msk $0xffff, v47  }
0xf0: {  	v58 =	vor.u32 v3, v31;
	[tilespmem:v49+s15+$0x0] =	vst.idx.msk $0xffff, v46;
	v57 =	vld.idx.msk [tilespmem:v50+s14+$0x0], $0xffff  }
0xf1: {  	v60 =	vor.u32 v3, v27;
	v61 =	vor.u32 v4, v33;
	v59 =	vld.idx.msk [tilespmem:v51+s14+$0x0], $0xffff  }
0xf2: {  	v62 =	vor.u32 v4, v32;
	_ =	sdelay $0x2  }
0xf3: {  	[tilespmem:v58+s15+$0x0] =	vst.idx.msk $0xffff, v57  }
0xf4: {  	v63 =	vor.u32 v5, v31;
	[tilespmem:v60+s15+$0x0] =	vst.idx.msk $0xffff, v59;
	v46 =	vld.idx.msk [tilespmem:v61+s14+$0x0], $0xffff  }
0xf5: {  	v54 =	vor.u32 v5, v27;
	v55 =	vor.u32 v6, v33;
	v48 =	vld.idx.msk [tilespmem:v62+s14+$0x0], $0xffff  }
0xf6: {  	v56 =	vor.u32 v6, v32;
	[tilespmem:v42+s15+$0x0] =	vst.idx.msk $0xffff, v40  }
0xf7: {  	[tilespmem:v44+s15+$0x0] =	vst.idx.msk $0xffff, v41;
	v42 =	vld.idx.msk [tilespmem:v43+s14+$0x0], $0xffff;
	v59 =	vor.u32 v7, v20  }
0xf8: {  	v57 =	vld.idx.msk [tilespmem:v45+s14+$0x0], $0xffff;
	v58 =	vor.u32 v7, v21;
	v61 =	vor.u32 v8, v22  }
0xf9: {  	v60 =	vor.u32 v8, v23;
	[tilespmem:v63+s15+$0x0] =	vst.idx.msk $0xffff, v46  }
0xfa: {  	v62 =	vor.u32 v7, v31;
	[tilespmem:v54+s15+$0x0] =	vst.idx.msk $0xffff, v48;
	v46 =	vld.idx.msk [tilespmem:v55+s14+$0x0], $0xffff  }
0xfb: {  	v63 =	vor.u32 v7, v27;
	v54 =	vor.u32 v8, v33;
	v48 =	vld.idx.msk [tilespmem:v56+s14+$0x0], $0xffff  }
0xfc: {  	[tilespmem:v59+s15+$0x0] =	vst.idx.msk $0xffff, v42;
	v55 =	vor.u32 v8, v32  }
0xfd: {  	[tilespmem:v58+s15+$0x0] =	vst.idx.msk $0xffff, v57;
	v57 =	vor.u32 v9, v20;
	v59 =	vld.idx.msk [tilespmem:v61+s14+$0x0], $0xffff  }
0xfe: {  	v40 =	vld.idx.msk [tilespmem:v60+s14+$0x0], $0xffff;
	v60 =	vor.u32 v10, v22  }
0xff: {  	v56 =	vor.u32 v9, v21;
	[tilespmem:v62+s15+$0x0] =	vst.idx.msk $0xffff, v46  }
0x100: {  	v58 =	vor.u32 v10, v23;
	v61 =	vor.u32 v9, v31;
	[tilespmem:v63+s15+$0x0] =	vst.idx.msk $0xffff, v48;
	v46 =	vld.idx.msk [tilespmem:v54+s14+$0x0], $0xffff  }
0x101: {  	[tilespmem:v39+s15+$0x0] =	vst.idx.msk $0xffff, v38;
	v62 =	vor.u32 v9, v27;
	v63 =	vor.u32 v10, v33;
	v48 =	vld.idx.msk [tilespmem:v55+s14+$0x0], $0xffff  }
0x102: {  	v52 =	vor.u32 v10, v32;
	[tilespmem:v57+s15+$0x0] =	vst.idx.msk $0xffff, v59  }
0x103: {  	[tilespmem:v29+s15+$0x0] =	vst.idx.msk $0xffff, v36;
	v53 =	vor.u32 v12, v19;
	v42 =	vld.idx.msk [tilespmem:v60+s14+$0x0], $0xffff  }
0x104: {  	v35 =	vld.idx.msk [tilespmem:v35+s14+$0x0], $0xffff;
	[tilespmem:v56+s15+$0x0] =	vst.idx.msk $0xffff, v40;
	v56 =	vor.u32 v12, v22  }
0x105: {  	v54 =	vor.u32 v12, v18;
	v41 =	vld.idx.msk [tilespmem:v58+s14+$0x0], $0xffff;
	[tilespmem:v61+s15+$0x0] =	vst.idx.msk $0xffff, v46  }
0x106: {  	v55 =	vor.u32 v12, v23;
	[tilespmem:v62+s15+$0x0] =	vst.idx.msk $0xffff, v48;
	v57 =	vld.idx.msk [tilespmem:v63+s14+$0x0], $0xffff  }
0x107: {  	[tilespmem:v24+s15+$0x0] =	vst.idx.msk $0xffff, v37;
	v59 =	vor.u32 v12, v33;
	v58 =	vld.idx.msk [tilespmem:v52+s14+$0x0], $0xffff  }
0x108: {  	v60 =	vld.idx.msk [tilespmem:v53+s14+$0x0], $0xffff;
	[tilespmem:v25+s15+$0x0] =	vst.idx.msk $0xffff, v42;
	v61 =	vor.u32 v13, v17;
	v62 =	vor.u32 v12, v32  }
0x109: {  	[tilespmem:v28+s15+$0x0] =	vst.idx.msk $0xffff, v35;
	v51 =	vor.u32 v13, v20;
	v46 =	vor.u32 v14, v19;
	v50 =	vld.idx.msk [tilespmem:v56+s14+$0x0], $0xffff  }
0x10a: {  	v45 =	vor.u32 v13, v16;
	v53 =	vor.u32 v14, v22;
	[tilespmem:v26+s15+$0x0] =	vst.idx.msk $0xffff, v41;
	v63 =	vld.idx.msk [tilespmem:v54+s14+$0x0], $0xffff  }
0x10b: {  	v47 =	vor.u32 v14, v18;
	v49 =	vor.u32 v13, v21;
	v48 =	vld.idx.msk [tilespmem:v55+s14+$0x0], $0xffff;
	[tilespmem:v34+s15+$0x0] =	vst.idx.msk $0xffff, v57  }
0x10c: {  	v52 =	vor.u32 v14, v23;
	v55 =	vor.u32 v13, v31;
	[tilespmem:v30+s15+$0x0] =	vst.idx.msk $0xffff, v58;
	v54 =	vld.idx.msk [tilespmem:v59+s14+$0x0], $0xffff  }
0x10d: {  	[tilespmem:v61+s15+$0x0] =	vst.idx.msk $0xffff, v60;
	v57 =	vor.u32 v13, v27;
	v58 =	vor.u32 v14, v33;
	v56 =	vld.idx.msk [tilespmem:v62+s14+$0x0], $0xffff  }
0x10e: {  	v17 =	vor.u32 v15, v17;
	[tilespmem:v51+s15+$0x0] =	vst.idx.msk $0xffff, v50;
	v19 =	vld.idx.msk [tilespmem:v46+s14+$0x0], $0xffff;
	v59 =	vor.u32 v14, v32  }
0x10f: {  	v61 =	vor.u32 v15, v20;
	[tilespmem:v45+s15+$0x0] =	vst.idx.msk $0xffff, v63;
	v22 =	vld.idx.msk [tilespmem:v53+s14+$0x0], $0xffff  }
0x110: {  	v16 =	vor.u32 v15, v16;
	[tilespmem:v49+s15+$0x0] =	vst.idx.msk $0xffff, v48;
	v18 =	vld.idx.msk [tilespmem:v47+s14+$0x0], $0xffff  }
0x111: {  	v60 =	vor.u32 v15, v21;
	v23 =	vld.idx.msk [tilespmem:v52+s14+$0x0], $0xffff;
	[tilespmem:v55+s15+$0x0] =	vst.idx.msk $0xffff, v54  }
0x112: {  	v62 =	vor.u32 v15, v31;
	[tilespmem:v57+s15+$0x0] =	vst.idx.msk $0xffff, v56;
	v24 =	vld.idx.msk [tilespmem:v58+s14+$0x0], $0xffff  }
0x113: {  	[tilespmem:v17+s15+$0x0] =	vst.idx.msk $0xffff, v19;
	v17 =	vor.u32 v15, v27;
	v63 =	vld.idx.msk [tilespmem:v59+s14+$0x0], $0xffff  }
0x114: {  	[tilespmem:v61+s15+$0x0] =	vst.idx.msk $0xffff, v22  }
.Ltmp8:
0x115: {  	[tilespmem:v16+s15+$0x0] =	vst.idx.msk $0xffff, v18;
	(pc) =	sbr.rel .LBB2_10-.Ltmp8, $4  }
0x116: {  	[tilespmem:v60+s15+$0x0] =	vst.idx.msk $0xffff, v23  }
0x117: {  	s20 =	sshll.u32 s20, $0x9;
	[tilespmem:v62+s15+$0x0] =	vst.idx.msk $0xffff, v24  }
0x118: {  	s20 =	sadd.s32 s3, s20;
	[tilespmem:v17+s15+$0x0] =	vst.idx.msk $0xffff, v63  }
0x119: {  	[hbm4b:s20+s4] =	stream.linear.scatter [tilespmem:s15], [sflag:$0x4], $0x1000, $0x38;
	[tilespmem:$0x4000] =	vst v63  }
.LBB2_12:
0x11a: {  	_ =	sfence.sel $0x180000  }
0x11b: {  	[bflag:$0x0] =	sbarrier.arrive $0xFFFF  }
0x11c: {  	p0 =	sne.s32 s1, $0x0;
	_ =	strace $0x90000047  }
0x11d: {  	s0 =	sadd.s32 @!p0 $0x100000, s0;
	[bflag:$0x2] =	sbarrier.arrive $0xFFFF  }
0x11e: {  	[sflag:s0] =	ssyncadd.tile.s32 @!p0 $0x1;
	_ =	shalt  }
.Lfunc_end2:
_tile_overlayer_lowered:
.L_overlay_start_2:
0x11f: {  	(tag) =	ssettag $0x2  }
0x120: {  	s0 =	rddreg [dreg:$0x0];
	s2 =	stileid.u32  }
0x121: {  	s1 =	rddreg [dreg:$0x1];
	p0 =	sne.s32 s2, $0x0  }
0x122: {  	s3 =	rddreg [dreg:$0x2];
	[bflag:$0x3] =	sbarrier.arrive $0xFFFF;
	s2 =	simm.s32 @!p0 $0x1C05  }
0x123: {  	[timem:s3], [sflag:s2] =	dma.local @!p0 [hbm:s0], s1  }
0x124: {  	s0 =	simm.s32 @!p0 $0x5  }
0x125: {  	_ =	swait.ge @!p0 [sflag:s0], s1  }
0x126: {  	s1 =	ssub.s32 @!p0 $0x0, s1;
	[sflag:s0] =	ssyncset.done @!p0 $0x0  }
0x127: {  	[sflag:s0] =	ssyncadd.s32 @!p0 s1  }
0x128: {  	[bflag:$0x3] =	sbarrier.arrive $0xFFFF  }
0x129: {  	_ =	shalt  }

</sc_bundles>
